<compile_context>
chip_gen: v7x
topology: tpu7x:2x2x1
jax: 0.10.2.dev20260603
libtpu: 0.0.44.dev20260713+nightly
codegen_flags: <defaults>
</compile_context>

<pallas_src>
import jax
import jax.numpy as jnp
from jax import lax
from jax.experimental import pallas as pl
from jax.experimental.pallas import tpu as pltpu
from jax.experimental.pallas import tpu_sc as plsc

B = 16384
C = 25
H = 10
NC, NS, L = 2, 16, 16
NW = NC * NS
RW = B // NW
NG = RW // L
TRI_OFF = (0, 3, 6, 9, 12)
DUO_OFF = (15, 17, 19, 21, 23)
LN2 = 0.6931471805599453
SQRT2 = 1.4142135623730951


def _log_pos(x):
    bits = plsc.bitcast(x, jnp.int32)
    k = (bits >> 23) - 127
    f = plsc.bitcast((bits & 0x007FFFFF) | 0x3F800000, jnp.float32)
    u = (f - SQRT2) / (f + SQRT2)
    u2 = u * u
    p = u2 * (1.0 / 5.0) + (1.0 / 3.0)
    p = u2 * p + 1.0
    return k.astype(jnp.float32) * LN2 + (0.5 * LN2 + 2.0 * u * p)


def _body(lg_hbm, ac_hbm, lp_hbm, ent_hbm,
          lg_v, ac_v, lp_v, ent_v, sem_l, sem_a):
    wid = lax.axis_index("s") * NC + lax.axis_index("c")
    base = wid * RW
    cp_l = pltpu.make_async_copy(lg_hbm.at[:, pl.ds(base, RW)], lg_v, sem_l)
    cp_a = pltpu.make_async_copy(ac_hbm.at[:, pl.ds(base, RW)], ac_v, sem_a)
    cp_l.start()
    cp_a.start()
    cp_l.wait()
    cp_a.wait()

    def group(g):
        r0 = g * L
        xa_s = jnp.zeros((L,), jnp.float32)
        m_s = jnp.zeros((L,), jnp.float32)
        nums = []
        dens = []
        for h, off in enumerate(TRI_OFF):
            x0 = lg_v[off, pl.ds(r0, L)]
            x1 = lg_v[off + 1, pl.ds(r0, L)]
            x2 = lg_v[off + 2, pl.ds(r0, L)]
            m = jnp.maximum(jnp.maximum(x0, x1), x2)
            e0 = jnp.exp(x0 - m)
            e1 = jnp.exp(x1 - m)
            e2 = jnp.exp(x2 - m)
            s = (e0 + e1) + e2
            m_s = m_s + m
            nums.append((e0 * x0 + e1 * x1) + e2 * x2)
            dens.append(s)
            a = ac_v[h, pl.ds(r0, L)].astype(jnp.float32)
            xa_s = xa_s + (x0 + a * (x1 - x0))
        for h, off in enumerate(DUO_OFF):
            x0 = lg_v[off, pl.ds(r0, L)]
            x1 = lg_v[off + 1, pl.ds(r0, L)]
            hi = jnp.maximum(x0, x1)
            lo = jnp.minimum(x0, x1)
            t = jnp.exp(lo - hi)
            s = t + 1.0
            m_s = m_s + hi
            nums.append(hi + t * lo)
            dens.append(s)
            a = ac_v[h + 5, pl.ds(r0, L)].astype(jnp.float32)
            xa_s = xa_s + (x0 + a * (x1 - x0))
        nps = []
        pps = []
        for i in range(0, H, 2):
            n1, n2 = nums[i], nums[i + 1]
            s1, s2 = dens[i], dens[i + 1]
            nps.append(n1 * s2 + n2 * s1)
            pps.append(s1 * s2)
        q0 = pps[0] * pps[1]
        q1 = pps[2] * pps[3]
        nq0 = nps[0] * pps[1] + nps[1] * pps[0]
        nq1 = nps[2] * pps[3] + nps[3] * pps[2]
        q01 = q0 * q1
        num = (nq0 * q1 + nq1 * q0) * pps[4] + nps[4] * q01
        prod = q01 * pps[4]
        w_s = num / prod
        lse_s = m_s + _log_pos(prod)
        lp_v[pl.ds(r0, L)] = xa_s - lse_s
        ent_v[pl.ds(r0, L)] = lse_s - w_s

    plsc.parallel_loop(0, NG, 1, unroll=1)(group)
    pltpu.sync_copy(lp_v, lp_hbm.at[pl.ds(base, RW)])
    pltpu.sync_copy(ent_v, ent_hbm.at[pl.ds(base, RW)])


def kernel(logits, action):
    run = pl.kernel(
        _body,
        out_type=(
            jax.ShapeDtypeStruct((B,), jnp.float32),
            jax.ShapeDtypeStruct((B,), jnp.float32),
        ),
        mesh=plsc.VectorSubcoreMesh(
            core_axis_name="c", subcore_axis_name="s",
            num_cores=NC, num_subcores=NS,
        ),
        scratch_types=[
            pltpu.VMEM((C, RW), jnp.float32),
            pltpu.VMEM((H, RW), jnp.int32),
            pltpu.VMEM((RW,), jnp.float32),
            pltpu.VMEM((RW,), jnp.float32),
            pltpu.SemaphoreType.DMA,
            pltpu.SemaphoreType.DMA,
        ],
        compiler_params=pltpu.CompilerParams(needs_layout_passes=False),
    )
    lp, ent = run(logits.T, action.T)
    return jnp.stack([lp, ent], axis=-1)

# --- scband reference (transcript-rebuilt; emitter-appended) ---
"""Pipeline reference for scband-multi-discrete-rolv-52716428591918 (READ-ONLY COPY).

The authoritative reference and input builder live on the scoring server;
editing this copy changes nothing except your own understanding.
"""

import jax, jax.numpy as jnp
import numpy as np

BINS = [3, 3, 3, 3, 3, 2, 2, 2, 2, 2]


def setup_inputs(seed: int = 0) -> dict:
    key = jax.random.key(seed)
    k1, k2 = jax.random.split(key)
    B = 16384
    logits = jax.random.normal(k1, (B, sum(BINS)), dtype=jnp.float32)
    # actions in {0,1} are valid for both 3-way (triplet) and 2-way (duet) heads
    action = jax.random.randint(k2, (B, len(BINS)), 0, 2).astype(jnp.int32)
    return {"logits": logits, "action": action}


def _make_combined_logits(logits):
    # torch.split(logits, bins, dim=-1)
    split_points = np.cumsum(BINS)[:-1].tolist()
    split_logits = jnp.split(logits, split_points, axis=-1)
    # triplets: stack first 5 heads -> [B, 3, 5]
    triplets = jnp.stack(split_logits[:5], axis=-1)
    # duets: stack last 5 heads -> [B, 2, 5], pad category dim to 3 with -inf
    duets = jnp.stack(split_logits[5:], axis=-1)
    pad_shape = duets.shape[:-2] + (1,) + duets.shape[-1:]
    pad = jnp.full(pad_shape, -jnp.inf, dtype=duets.dtype)
    duets_padded = jnp.concatenate([duets, pad], axis=-2)  # [B, 3, 5]
    combined = jnp.concatenate([triplets, duets_padded], axis=-1)  # [B, 3, 10]
    combined = jnp.swapaxes(combined, -1, -2)  # [B, 10, 3]
    return combined


def reference(logits, action):
    combined = _make_combined_logits(logits)  # [B, 10, 3]
    # Categorical log-softmax normalization
    logZ = jax.nn.logsumexp(combined, axis=-1, keepdims=True)
    log_probs = combined - logZ  # -inf entries stay -inf
    # log_prob(action).sum(dim=-1)
    lp = jnp.take_along_axis(log_probs, action[..., None].astype(jnp.int32), axis=-1)
    lp = jnp.squeeze(lp, axis=-1).sum(axis=-1)  # [B]
    # entropy().sum(dim=-1), with 0 * log 0 := 0 (matches torch Categorical)
    probs = jnp.exp(log_probs)
    safe_lp = jnp.where(probs > 0, log_probs, 0.0)
    p_log_p = probs * safe_lp
    ent = -p_log_p.sum(axis=-1).sum(axis=-1)  # [B]
    return jnp.stack([lp, ent], axis=-1)  # [B, 2]

if __name__ == "__main__":
    import jax
    _d = setup_inputs()
    print(jax.jit(kernel)(*tuple(_d.values())))

</pallas_src>

<mosaic_0001>
#map = affine_map<(d0, d1) -> (0, 0)>
#map1 = affine_map<(d0, d1) -> (0)>
module attributes {stable_mosaic.version = 14 : i64} {
  func.func @_body(%arg0: i32, %arg1: i32, %arg2: memref<25x16384xf32, #tpu.memory_space<hbm>>, %arg3: memref<10x16384xi32, #tpu.memory_space<hbm>>, %arg4: memref<16384xf32, #tpu.memory_space<hbm>>, %arg5: memref<16384xf32, #tpu.memory_space<hbm>>, %arg6: memref<25x512xf32, #tpu.memory_space<vmem>>, %arg7: memref<10x512xi32, #tpu.memory_space<vmem>>, %arg8: memref<512xf32, #tpu.memory_space<vmem>>, %arg9: memref<512xf32, #tpu.memory_space<vmem>>, %arg10: memref<!tpu.dma_semaphore, #tpu.memory_space<semaphore_mem>>, %arg11: memref<!tpu.dma_semaphore, #tpu.memory_space<semaphore_mem>>) attributes {dimension_semantics = [#tpu.dimension_semantics<core_parallel>, #tpu.dimension_semantics<subcore_parallel>], iteration_bounds = array<i64: 2, 16>, scalar_prefetch = 0 : i64, scratch_operands = 6 : i64, tpu.core_type = #tpu.core_type<sc_vector_subcore>, window_params = [{transform_indices = #map}, {transform_indices = #map}, {transform_indices = #map1}, {transform_indices = #map1}]} {
    %mul3A = arith.constant 2 : i32
    %mul3A_0 = arith.muli %arg1, %mul3A : i32
    %add3A = arith.addi %mul3A_0, %arg0 : i32
    %mul3A_1 = arith.constant 512 : i32
    %mul3A_2 = arith.muli %add3A, %mul3A_1 : i32
    %dma_start3A = arith.constant 0 : i32
    %dma_start3A_3 = tpu.memref_slice %arg2[%dma_start3A, %mul3A_2] : memref<25x16384xf32, #tpu.memory_space<hbm>> -> memref<25x512xf32, #tpu.memory_space<hbm>>
    %dma_start3A_4 = arith.constant 0 : i32
    %dma_start3A_5 = tpu.memref_slice %arg2[%dma_start3A_4, %mul3A_2] : memref<25x16384xf32, #tpu.memory_space<hbm>> -> memref<25x512xf32, #tpu.memory_space<hbm>>
    tpu.enqueue_dma source(%dma_start3A_5 : memref<25x512xf32, #tpu.memory_space<hbm>>) target(%arg6 : memref<25x512xf32, #tpu.memory_space<vmem>>) target_semaphore(%arg10 : memref<!tpu.dma_semaphore, #tpu.memory_space<semaphore_mem>>)
    %dma_start3A_6 = arith.constant 0 : i32
    %dma_start3A_7 = tpu.memref_slice %arg3[%dma_start3A_6, %mul3A_2] : memref<10x16384xi32, #tpu.memory_space<hbm>> -> memref<10x512xi32, #tpu.memory_space<hbm>>
    %dma_start3A_8 = arith.constant 0 : i32
    %dma_start3A_9 = tpu.memref_slice %arg3[%dma_start3A_8, %mul3A_2] : memref<10x16384xi32, #tpu.memory_space<hbm>> -> memref<10x512xi32, #tpu.memory_space<hbm>>
    tpu.enqueue_dma source(%dma_start3A_9 : memref<10x512xi32, #tpu.memory_space<hbm>>) target(%arg7 : memref<10x512xi32, #tpu.memory_space<vmem>>) target_semaphore(%arg11 : memref<!tpu.dma_semaphore, #tpu.memory_space<semaphore_mem>>)
    %dma_wait3A = arith.constant 0 : i32
    %dma_wait3A_10 = tpu.memref_slice %arg2[%dma_wait3A, %mul3A_2] : memref<25x16384xf32, #tpu.memory_space<hbm>> -> memref<25x512xf32, #tpu.memory_space<hbm>>
    %dma_wait3A_11 = arith.constant 0 : i32
    %dma_wait3A_12 = tpu.memref_slice %arg2[%dma_wait3A_11, %mul3A_2] : memref<25x16384xf32, #tpu.memory_space<hbm>> -> memref<25x512xf32, #tpu.memory_space<hbm>>
    tpu.wait_dma2 semaphore(%arg10 : memref<!tpu.dma_semaphore, #tpu.memory_space<semaphore_mem>>) src(%dma_wait3A_12 : memref<25x512xf32, #tpu.memory_space<hbm>>) dst(%arg6 : memref<25x512xf32, #tpu.memory_space<vmem>>)
    %dma_wait3A_13 = arith.constant 0 : i32
    %dma_wait3A_14 = tpu.memref_slice %arg3[%dma_wait3A_13, %mul3A_2] : memref<10x16384xi32, #tpu.memory_space<hbm>> -> memref<10x512xi32, #tpu.memory_space<hbm>>
    %dma_wait3A_15 = arith.constant 0 : i32
    %dma_wait3A_16 = tpu.memref_slice %arg3[%dma_wait3A_15, %mul3A_2] : memref<10x16384xi32, #tpu.memory_space<hbm>> -> memref<10x512xi32, #tpu.memory_space<hbm>>
    tpu.wait_dma2 semaphore(%arg11 : memref<!tpu.dma_semaphore, #tpu.memory_space<semaphore_mem>>) src(%dma_wait3A_16 : memref<10x512xi32, #tpu.memory_space<hbm>>) dst(%arg7 : memref<10x512xi32, #tpu.memory_space<vmem>>)
    %parallel_loop3A = arith.constant 0 : i32
    %parallel_loop3A_17 = arith.constant 32 : i32
    %parallel_loop3A_18 = arith.constant 1 : i32
    scf.for %parallel_loop3A_19 = %parallel_loop3A to %parallel_loop3A_17 step %parallel_loop3A_18  : i32 {
      %parallel_loop3A_20 = arith.constant 16 : i32
      %parallel_loop3A_21 = arith.muli %parallel_loop3A_19, %parallel_loop3A_20 : i32
      %parallel_loop3A_22 = arith.constant 0.000000e+00 : f32
      %parallel_loop3A_23 = vector.broadcast %parallel_loop3A_22 : f32 to vector<16xf32>
      %parallel_loop3A_24 = arith.constant 0.000000e+00 : f32
      %parallel_loop3A_25 = vector.broadcast %parallel_loop3A_24 : f32 to vector<16xf32>
      %parallel_loop3A_26 = arith.constant 0 : i32
      %parallel_loop3A_27 = arith.index_cast %parallel_loop3A_26 : i32 to index
      %parallel_loop3A_28 = arith.index_cast %parallel_loop3A_21 : i32 to index
      %parallel_loop3A_29 = tpu.vector_load %arg6[%parallel_loop3A_27, %parallel_loop3A_28] {strides = array<i32>} : memref<25x512xf32, #tpu.memory_space<vmem>>, vector<16xf32>,
      %parallel_loop3A_30 = arith.constant 1 : i32
      %parallel_loop3A_31 = arith.index_cast %parallel_loop3A_30 : i32 to index
      %parallel_loop3A_32 = arith.index_cast %parallel_loop3A_21 : i32 to index
      %parallel_loop3A_33 = tpu.vector_load %arg6[%parallel_loop3A_31, %parallel_loop3A_32] {strides = array<i32>} : memref<25x512xf32, #tpu.memory_space<vmem>>, vector<16xf32>,
      %parallel_loop3A_34 = arith.constant 2 : i32
      %parallel_loop3A_35 = arith.index_cast %parallel_loop3A_34 : i32 to index
      %parallel_loop3A_36 = arith.index_cast %parallel_loop3A_21 : i32 to index
      %parallel_loop3A_37 = tpu.vector_load %arg6[%parallel_loop3A_35, %parallel_loop3A_36] {strides = array<i32>} : memref<25x512xf32, #tpu.memory_space<vmem>>, vector<16xf32>,
      %parallel_loop3A_38 = arith.maximumf %parallel_loop3A_29, %parallel_loop3A_33 : vector<16xf32>
      %parallel_loop3A_39 = arith.maximumf %parallel_loop3A_38, %parallel_loop3A_37 : vector<16xf32>
      %parallel_loop3A_40 = arith.subf %parallel_loop3A_29, %parallel_loop3A_39 : vector<16xf32>
      %parallel_loop3A_41 = math.exp %parallel_loop3A_40 : vector<16xf32>
      %parallel_loop3A_42 = arith.subf %parallel_loop3A_33, %parallel_loop3A_39 : vector<16xf32>
      %parallel_loop3A_43 = math.exp %parallel_loop3A_42 : vector<16xf32>
      %parallel_loop3A_44 = arith.subf %parallel_loop3A_37, %parallel_loop3A_39 : vector<16xf32>
      %parallel_loop3A_45 = math.exp %parallel_loop3A_44 : vector<16xf32>
      %parallel_loop3A_46 = arith.addf %parallel_loop3A_41, %parallel_loop3A_43 : vector<16xf32>
      %parallel_loop3A_47 = arith.addf %parallel_loop3A_46, %parallel_loop3A_45 : vector<16xf32>
      %parallel_loop3A_48 = arith.addf %parallel_loop3A_25, %parallel_loop3A_39 : vector<16xf32>
      %parallel_loop3A_49 = arith.mulf %parallel_loop3A_41, %parallel_loop3A_29 : vector<16xf32>
      %parallel_loop3A_50 = arith.mulf %parallel_loop3A_43, %parallel_loop3A_33 : vector<16xf32>
      %parallel_loop3A_51 = arith.addf %parallel_loop3A_49, %parallel_loop3A_50 : vector<16xf32>
      %parallel_loop3A_52 = arith.mulf %parallel_loop3A_45, %parallel_loop3A_37 : vector<16xf32>
      %parallel_loop3A_53 = arith.addf %parallel_loop3A_51, %parallel_loop3A_52 : vector<16xf32>
      %parallel_loop3A_54 = arith.constant 0 : i32
      %parallel_loop3A_55 = arith.index_cast %parallel_loop3A_54 : i32 to index
      %parallel_loop3A_56 = arith.index_cast %parallel_loop3A_21 : i32 to index
      %parallel_loop3A_57 = tpu.vector_load %arg7[%parallel_loop3A_55, %parallel_loop3A_56] {strides = array<i32>} : memref<10x512xi32, #tpu.memory_space<vmem>>, vector<16xi32>,
      %parallel_loop3A_58 = arith.sitofp %parallel_loop3A_57 : vector<16xi32> to vector<16xf32>
      %parallel_loop3A_59 = arith.subf %parallel_loop3A_33, %parallel_loop3A_29 : vector<16xf32>
      %parallel_loop3A_60 = arith.mulf %parallel_loop3A_58, %parallel_loop3A_59 : vector<16xf32>
      %parallel_loop3A_61 = arith.addf %parallel_loop3A_29, %parallel_loop3A_60 : vector<16xf32>
      %parallel_loop3A_62 = arith.addf %parallel_loop3A_23, %parallel_loop3A_61 : vector<16xf32>
      %parallel_loop3A_63 = arith.constant 3 : i32
      %parallel_loop3A_64 = arith.index_cast %parallel_loop3A_63 : i32 to index
      %parallel_loop3A_65 = arith.index_cast %parallel_loop3A_21 : i32 to index
      %parallel_loop3A_66 = tpu.vector_load %arg6[%parallel_loop3A_64, %parallel_loop3A_65] {strides = array<i32>} : memref<25x512xf32, #tpu.memory_space<vmem>>, vector<16xf32>,
      %parallel_loop3A_67 = arith.constant 4 : i32
      %parallel_loop3A_68 = arith.index_cast %parallel_loop3A_67 : i32 to index
      %parallel_loop3A_69 = arith.index_cast %parallel_loop3A_21 : i32 to index
      %parallel_loop3A_70 = tpu.vector_load %arg6[%parallel_loop3A_68, %parallel_loop3A_69] {strides = array<i32>} : memref<25x512xf32, #tpu.memory_space<vmem>>, vector<16xf32>,
      %parallel_loop3A_71 = arith.constant 5 : i32
      %parallel_loop3A_72 = arith.index_cast %parallel_loop3A_71 : i32 to index
      %parallel_loop3A_73 = arith.index_cast %parallel_loop3A_21 : i32 to index
      %parallel_loop3A_74 = tpu.vector_load %arg6[%parallel_loop3A_72, %parallel_loop3A_73] {strides = array<i32>} : memref<25x512xf32, #tpu.memory_space<vmem>>, vector<16xf32>,
      %parallel_loop3A_75 = arith.maximumf %parallel_loop3A_66, %parallel_loop3A_70 : vector<16xf32>
      %parallel_loop3A_76 = arith.maximumf %parallel_loop3A_75, %parallel_loop3A_74 : vector<16xf32>
      %parallel_loop3A_77 = arith.subf %parallel_loop3A_66, %parallel_loop3A_76 : vector<16xf32>
      %parallel_loop3A_78 = math.exp %parallel_loop3A_77 : vector<16xf32>
      %parallel_loop3A_79 = arith.subf %parallel_loop3A_70, %parallel_loop3A_76 : vector<16xf32>
      %parallel_loop3A_80 = math.exp %parallel_loop3A_79 : vector<16xf32>
      %parallel_loop3A_81 = arith.subf %parallel_loop3A_74, %parallel_loop3A_76 : vector<16xf32>
      %parallel_loop3A_82 = math.exp %parallel_loop3A_81 : vector<16xf32>
      %parallel_loop3A_83 = arith.addf %parallel_loop3A_78, %parallel_loop3A_80 : vector<16xf32>
      %parallel_loop3A_84 = arith.addf %parallel_loop3A_83, %parallel_loop3A_82 : vector<16xf32>
      %parallel_loop3A_85 = arith.addf %parallel_loop3A_48, %parallel_loop3A_76 : vector<16xf32>
      %parallel_loop3A_86 = arith.mulf %parallel_loop3A_78, %parallel_loop3A_66 : vector<16xf32>
      %parallel_loop3A_87 = arith.mulf %parallel_loop3A_80, %parallel_loop3A_70 : vector<16xf32>
      %parallel_loop3A_88 = arith.addf %parallel_loop3A_86, %parallel_loop3A_87 : vector<16xf32>
      %parallel_loop3A_89 = arith.mulf %parallel_loop3A_82, %parallel_loop3A_74 : vector<16xf32>
      %parallel_loop3A_90 = arith.addf %parallel_loop3A_88, %parallel_loop3A_89 : vector<16xf32>
      %parallel_loop3A_91 = arith.constant 1 : i32
      %parallel_loop3A_92 = arith.index_cast %parallel_loop3A_91 : i32 to index
      %parallel_loop3A_93 = arith.index_cast %parallel_loop3A_21 : i32 to index
      %parallel_loop3A_94 = tpu.vector_load %arg7[%parallel_loop3A_92, %parallel_loop3A_93] {strides = array<i32>} : memref<10x512xi32, #tpu.memory_space<vmem>>, vector<16xi32>,
      %parallel_loop3A_95 = arith.sitofp %parallel_loop3A_94 : vector<16xi32> to vector<16xf32>
      %parallel_loop3A_96 = arith.subf %parallel_loop3A_70, %parallel_loop3A_66 : vector<16xf32>
      %parallel_loop3A_97 = arith.mulf %parallel_loop3A_95, %parallel_loop3A_96 : vector<16xf32>
      %parallel_loop3A_98 = arith.addf %parallel_loop3A_66, %parallel_loop3A_97 : vector<16xf32>
      %parallel_loop3A_99 = arith.addf %parallel_loop3A_62, %parallel_loop3A_98 : vector<16xf32>
      %parallel_loop3A_100 = arith.constant 6 : i32
      %parallel_loop3A_101 = arith.index_cast %parallel_loop3A_100 : i32 to index
      %parallel_loop3A_102 = arith.index_cast %parallel_loop3A_21 : i32 to index
      %parallel_loop3A_103 = tpu.vector_load %arg6[%parallel_loop3A_101, %parallel_loop3A_102] {strides = array<i32>} : memref<25x512xf32, #tpu.memory_space<vmem>>, vector<16xf32>,
      %parallel_loop3A_104 = arith.constant 7 : i32
      %parallel_loop3A_105 = arith.index_cast %parallel_loop3A_104 : i32 to index
      %parallel_loop3A_106 = arith.index_cast %parallel_loop3A_21 : i32 to index
      %parallel_loop3A_107 = tpu.vector_load %arg6[%parallel_loop3A_105, %parallel_loop3A_106] {strides = array<i32>} : memref<25x512xf32, #tpu.memory_space<vmem>>, vector<16xf32>,
      %parallel_loop3A_108 = arith.constant 8 : i32
      %parallel_loop3A_109 = arith.index_cast %parallel_loop3A_108 : i32 to index
      %parallel_loop3A_110 = arith.index_cast %parallel_loop3A_21 : i32 to index
      %parallel_loop3A_111 = tpu.vector_load %arg6[%parallel_loop3A_109, %parallel_loop3A_110] {strides = array<i32>} : memref<25x512xf32, #tpu.memory_space<vmem>>, vector<16xf32>,
      %parallel_loop3A_112 = arith.maximumf %parallel_loop3A_103, %parallel_loop3A_107 : vector<16xf32>
      %parallel_loop3A_113 = arith.maximumf %parallel_loop3A_112, %parallel_loop3A_111 : vector<16xf32>
      %parallel_loop3A_114 = arith.subf %parallel_loop3A_103, %parallel_loop3A_113 : vector<16xf32>
      %parallel_loop3A_115 = math.exp %parallel_loop3A_114 : vector<16xf32>
      %parallel_loop3A_116 = arith.subf %parallel_loop3A_107, %parallel_loop3A_113 : vector<16xf32>
      %parallel_loop3A_117 = math.exp %parallel_loop3A_116 : vector<16xf32>
      %parallel_loop3A_118 = arith.subf %parallel_loop3A_111, %parallel_loop3A_113 : vector<16xf32>
      %parallel_loop3A_119 = math.exp %parallel_loop3A_118 : vector<16xf32>
      %parallel_loop3A_120 = arith.addf %parallel_loop3A_115, %parallel_loop3A_117 : vector<16xf32>
      %parallel_loop3A_121 = arith.addf %parallel_loop3A_120, %parallel_loop3A_119 : vector<16xf32>
      %parallel_loop3A_122 = arith.addf %parallel_loop3A_85, %parallel_loop3A_113 : vector<16xf32>
      %parallel_loop3A_123 = arith.mulf %parallel_loop3A_115, %parallel_loop3A_103 : vector<16xf32>
      %parallel_loop3A_124 = arith.mulf %parallel_loop3A_117, %parallel_loop3A_107 : vector<16xf32>
      %parallel_loop3A_125 = arith.addf %parallel_loop3A_123, %parallel_loop3A_124 : vector<16xf32>
      %parallel_loop3A_126 = arith.mulf %parallel_loop3A_119, %parallel_loop3A_111 : vector<16xf32>
      %parallel_loop3A_127 = arith.addf %parallel_loop3A_125, %parallel_loop3A_126 : vector<16xf32>
      %parallel_loop3A_128 = arith.constant 2 : i32
      %parallel_loop3A_129 = arith.index_cast %parallel_loop3A_128 : i32 to index
      %parallel_loop3A_130 = arith.index_cast %parallel_loop3A_21 : i32 to index
      %parallel_loop3A_131 = tpu.vector_load %arg7[%parallel_loop3A_129, %parallel_loop3A_130] {strides = array<i32>} : memref<10x512xi32, #tpu.memory_space<vmem>>, vector<16xi32>,
      %parallel_loop3A_132 = arith.sitofp %parallel_loop3A_131 : vector<16xi32> to vector<16xf32>
      %parallel_loop3A_133 = arith.subf %parallel_loop3A_107, %parallel_loop3A_103 : vector<16xf32>
      %parallel_loop3A_134 = arith.mulf %parallel_loop3A_132, %parallel_loop3A_133 : vector<16xf32>
      %parallel_loop3A_135 = arith.addf %parallel_loop3A_103, %parallel_loop3A_134 : vector<16xf32>
      %parallel_loop3A_136 = arith.addf %parallel_loop3A_99, %parallel_loop3A_135 : vector<16xf32>
      %parallel_loop3A_137 = arith.constant 9 : i32
      %parallel_loop3A_138 = arith.index_cast %parallel_loop3A_137 : i32 to index
      %parallel_loop3A_139 = arith.index_cast %parallel_loop3A_21 : i32 to index
      %parallel_loop3A_140 = tpu.vector_load %arg6[%parallel_loop3A_138, %parallel_loop3A_139] {strides = array<i32>} : memref<25x512xf32, #tpu.memory_space<vmem>>, vector<16xf32>,
      %parallel_loop3A_141 = arith.constant 10 : i32
      %parallel_loop3A_142 = arith.index_cast %parallel_loop3A_141 : i32 to index
      %parallel_loop3A_143 = arith.index_cast %parallel_loop3A_21 : i32 to index
      %parallel_loop3A_144 = tpu.vector_load %arg6[%parallel_loop3A_142, %parallel_loop3A_143] {strides = array<i32>} : memref<25x512xf32, #tpu.memory_space<vmem>>, vector<16xf32>,
      %parallel_loop3A_145 = arith.constant 11 : i32
      %parallel_loop3A_146 = arith.index_cast %parallel_loop3A_145 : i32 to index
      %parallel_loop3A_147 = arith.index_cast %parallel_loop3A_21 : i32 to index
      %parallel_loop3A_148 = tpu.vector_load %arg6[%parallel_loop3A_146, %parallel_loop3A_147] {strides = array<i32>} : memref<25x512xf32, #tpu.memory_space<vmem>>, vector<16xf32>,
      %parallel_loop3A_149 = arith.maximumf %parallel_loop3A_140, %parallel_loop3A_144 : vector<16xf32>
      %parallel_loop3A_150 = arith.maximumf %parallel_loop3A_149, %parallel_loop3A_148 : vector<16xf32>
      %parallel_loop3A_151 = arith.subf %parallel_loop3A_140, %parallel_loop3A_150 : vector<16xf32>
      %parallel_loop3A_152 = math.exp %parallel_loop3A_151 : vector<16xf32>
      %parallel_loop3A_153 = arith.subf %parallel_loop3A_144, %parallel_loop3A_150 : vector<16xf32>
      %parallel_loop3A_154 = math.exp %parallel_loop3A_153 : vector<16xf32>
      %parallel_loop3A_155 = arith.subf %parallel_loop3A_148, %parallel_loop3A_150 : vector<16xf32>
      %parallel_loop3A_156 = math.exp %parallel_loop3A_155 : vector<16xf32>
      %parallel_loop3A_157 = arith.addf %parallel_loop3A_152, %parallel_loop3A_154 : vector<16xf32>
      %parallel_loop3A_158 = arith.addf %parallel_loop3A_157, %parallel_loop3A_156 : vector<16xf32>
      %parallel_loop3A_159 = arith.addf %parallel_loop3A_122, %parallel_loop3A_150 : vector<16xf32>
      %parallel_loop3A_160 = arith.mulf %parallel_loop3A_152, %parallel_loop3A_140 : vector<16xf32>
      %parallel_loop3A_161 = arith.mulf %parallel_loop3A_154, %parallel_loop3A_144 : vector<16xf32>
      %parallel_loop3A_162 = arith.addf %parallel_loop3A_160, %parallel_loop3A_161 : vector<16xf32>
      %parallel_loop3A_163 = arith.mulf %parallel_loop3A_156, %parallel_loop3A_148 : vector<16xf32>
      %parallel_loop3A_164 = arith.addf %parallel_loop3A_162, %parallel_loop3A_163 : vector<16xf32>
      %parallel_loop3A_165 = arith.constant 3 : i32
      %parallel_loop3A_166 = arith.index_cast %parallel_loop3A_165 : i32 to index
      %parallel_loop3A_167 = arith.index_cast %parallel_loop3A_21 : i32 to index
      %parallel_loop3A_168 = tpu.vector_load %arg7[%parallel_loop3A_166, %parallel_loop3A_167] {strides = array<i32>} : memref<10x512xi32, #tpu.memory_space<vmem>>, vector<16xi32>,
      %parallel_loop3A_169 = arith.sitofp %parallel_loop3A_168 : vector<16xi32> to vector<16xf32>
      %parallel_loop3A_170 = arith.subf %parallel_loop3A_144, %parallel_loop3A_140 : vector<16xf32>
      %parallel_loop3A_171 = arith.mulf %parallel_loop3A_169, %parallel_loop3A_170 : vector<16xf32>
      %parallel_loop3A_172 = arith.addf %parallel_loop3A_140, %parallel_loop3A_171 : vector<16xf32>
      %parallel_loop3A_173 = arith.addf %parallel_loop3A_136, %parallel_loop3A_172 : vector<16xf32>
      %parallel_loop3A_174 = arith.constant 12 : i32
      %parallel_loop3A_175 = arith.index_cast %parallel_loop3A_174 : i32 to index
      %parallel_loop3A_176 = arith.index_cast %parallel_loop3A_21 : i32 to index
      %parallel_loop3A_177 = tpu.vector_load %arg6[%parallel_loop3A_175, %parallel_loop3A_176] {strides = array<i32>} : memref<25x512xf32, #tpu.memory_space<vmem>>, vector<16xf32>,
      %parallel_loop3A_178 = arith.constant 13 : i32
      %parallel_loop3A_179 = arith.index_cast %parallel_loop3A_178 : i32 to index
      %parallel_loop3A_180 = arith.index_cast %parallel_loop3A_21 : i32 to index
      %parallel_loop3A_181 = tpu.vector_load %arg6[%parallel_loop3A_179, %parallel_loop3A_180] {strides = array<i32>} : memref<25x512xf32, #tpu.memory_space<vmem>>, vector<16xf32>,
      %parallel_loop3A_182 = arith.constant 14 : i32
      %parallel_loop3A_183 = arith.index_cast %parallel_loop3A_182 : i32 to index
      %parallel_loop3A_184 = arith.index_cast %parallel_loop3A_21 : i32 to index
      %parallel_loop3A_185 = tpu.vector_load %arg6[%parallel_loop3A_183, %parallel_loop3A_184] {strides = array<i32>} : memref<25x512xf32, #tpu.memory_space<vmem>>, vector<16xf32>,
      %parallel_loop3A_186 = arith.maximumf %parallel_loop3A_177, %parallel_loop3A_181 : vector<16xf32>
      %parallel_loop3A_187 = arith.maximumf %parallel_loop3A_186, %parallel_loop3A_185 : vector<16xf32>
      %parallel_loop3A_188 = arith.subf %parallel_loop3A_177, %parallel_loop3A_187 : vector<16xf32>
      %parallel_loop3A_189 = math.exp %parallel_loop3A_188 : vector<16xf32>
      %parallel_loop3A_190 = arith.subf %parallel_loop3A_181, %parallel_loop3A_187 : vector<16xf32>
      %parallel_loop3A_191 = math.exp %parallel_loop3A_190 : vector<16xf32>
      %parallel_loop3A_192 = arith.subf %parallel_loop3A_185, %parallel_loop3A_187 : vector<16xf32>
      %parallel_loop3A_193 = math.exp %parallel_loop3A_192 : vector<16xf32>
      %parallel_loop3A_194 = arith.addf %parallel_loop3A_189, %parallel_loop3A_191 : vector<16xf32>
      %parallel_loop3A_195 = arith.addf %parallel_loop3A_194, %parallel_loop3A_193 : vector<16xf32>
      %parallel_loop3A_196 = arith.addf %parallel_loop3A_159, %parallel_loop3A_187 : vector<16xf32>
      %parallel_loop3A_197 = arith.mulf %parallel_loop3A_189, %parallel_loop3A_177 : vector<16xf32>
      %parallel_loop3A_198 = arith.mulf %parallel_loop3A_191, %parallel_loop3A_181 : vector<16xf32>
      %parallel_loop3A_199 = arith.addf %parallel_loop3A_197, %parallel_loop3A_198 : vector<16xf32>
      %parallel_loop3A_200 = arith.mulf %parallel_loop3A_193, %parallel_loop3A_185 : vector<16xf32>
      %parallel_loop3A_201 = arith.addf %parallel_loop3A_199, %parallel_loop3A_200 : vector<16xf32>
      %parallel_loop3A_202 = arith.constant 4 : i32
      %parallel_loop3A_203 = arith.index_cast %parallel_loop3A_202 : i32 to index
      %parallel_loop3A_204 = arith.index_cast %parallel_loop3A_21 : i32 to index
      %parallel_loop3A_205 = tpu.vector_load %arg7[%parallel_loop3A_203, %parallel_loop3A_204] {strides = array<i32>} : memref<10x512xi32, #tpu.memory_space<vmem>>, vector<16xi32>,
      %parallel_loop3A_206 = arith.sitofp %parallel_loop3A_205 : vector<16xi32> to vector<16xf32>
      %parallel_loop3A_207 = arith.subf %parallel_loop3A_181, %parallel_loop3A_177 : vector<16xf32>
      %parallel_loop3A_208 = arith.mulf %parallel_loop3A_206, %parallel_loop3A_207 : vector<16xf32>
      %parallel_loop3A_209 = arith.addf %parallel_loop3A_177, %parallel_loop3A_208 : vector<16xf32>
      %parallel_loop3A_210 = arith.addf %parallel_loop3A_173, %parallel_loop3A_209 : vector<16xf32>
      %parallel_loop3A_211 = arith.constant 15 : i32
      %parallel_loop3A_212 = arith.index_cast %parallel_loop3A_211 : i32 to index
      %parallel_loop3A_213 = arith.index_cast %parallel_loop3A_21 : i32 to index
      %parallel_loop3A_214 = tpu.vector_load %arg6[%parallel_loop3A_212, %parallel_loop3A_213] {strides = array<i32>} : memref<25x512xf32, #tpu.memory_space<vmem>>, vector<16xf32>,
      %parallel_loop3A_215 = arith.constant 16 : i32
      %parallel_loop3A_216 = arith.index_cast %parallel_loop3A_215 : i32 to index
      %parallel_loop3A_217 = arith.index_cast %parallel_loop3A_21 : i32 to index
      %parallel_loop3A_218 = tpu.vector_load %arg6[%parallel_loop3A_216, %parallel_loop3A_217] {strides = array<i32>} : memref<25x512xf32, #tpu.memory_space<vmem>>, vector<16xf32>,
      %parallel_loop3A_219 = arith.maximumf %parallel_loop3A_214, %parallel_loop3A_218 : vector<16xf32>
      %parallel_loop3A_220 = arith.minimumf %parallel_loop3A_214, %parallel_loop3A_218 : vector<16xf32>
      %parallel_loop3A_221 = arith.subf %parallel_loop3A_220, %parallel_loop3A_219 : vector<16xf32>
      %parallel_loop3A_222 = math.exp %parallel_loop3A_221 : vector<16xf32>
      %parallel_loop3A_223 = arith.constant 1.000000e+00 : f32
      %parallel_loop3A_224 = vector.broadcast %parallel_loop3A_223 : f32 to vector<16xf32>
      %parallel_loop3A_225 = arith.addf %parallel_loop3A_222, %parallel_loop3A_224 : vector<16xf32>
      %parallel_loop3A_226 = arith.addf %parallel_loop3A_196, %parallel_loop3A_219 : vector<16xf32>
      %parallel_loop3A_227 = arith.mulf %parallel_loop3A_222, %parallel_loop3A_220 : vector<16xf32>
      %parallel_loop3A_228 = arith.addf %parallel_loop3A_219, %parallel_loop3A_227 : vector<16xf32>
      %parallel_loop3A_229 = arith.constant 5 : i32
      %parallel_loop3A_230 = arith.index_cast %parallel_loop3A_229 : i32 to index
      %parallel_loop3A_231 = arith.index_cast %parallel_loop3A_21 : i32 to index
      %parallel_loop3A_232 = tpu.vector_load %arg7[%parallel_loop3A_230, %parallel_loop3A_231] {strides = array<i32>} : memref<10x512xi32, #tpu.memory_space<vmem>>, vector<16xi32>,
      %parallel_loop3A_233 = arith.sitofp %parallel_loop3A_232 : vector<16xi32> to vector<16xf32>
      %parallel_loop3A_234 = arith.subf %parallel_loop3A_218, %parallel_loop3A_214 : vector<16xf32>
      %parallel_loop3A_235 = arith.mulf %parallel_loop3A_233, %parallel_loop3A_234 : vector<16xf32>
      %parallel_loop3A_236 = arith.addf %parallel_loop3A_214, %parallel_loop3A_235 : vector<16xf32>
      %parallel_loop3A_237 = arith.addf %parallel_loop3A_210, %parallel_loop3A_236 : vector<16xf32>
      %parallel_loop3A_238 = arith.constant 17 : i32
      %parallel_loop3A_239 = arith.index_cast %parallel_loop3A_238 : i32 to index
      %parallel_loop3A_240 = arith.index_cast %parallel_loop3A_21 : i32 to index
      %parallel_loop3A_241 = tpu.vector_load %arg6[%parallel_loop3A_239, %parallel_loop3A_240] {strides = array<i32>} : memref<25x512xf32, #tpu.memory_space<vmem>>, vector<16xf32>,
      %parallel_loop3A_242 = arith.constant 18 : i32
      %parallel_loop3A_243 = arith.index_cast %parallel_loop3A_242 : i32 to index
      %parallel_loop3A_244 = arith.index_cast %parallel_loop3A_21 : i32 to index
      %parallel_loop3A_245 = tpu.vector_load %arg6[%parallel_loop3A_243, %parallel_loop3A_244] {strides = array<i32>} : memref<25x512xf32, #tpu.memory_space<vmem>>, vector<16xf32>,
      %parallel_loop3A_246 = arith.maximumf %parallel_loop3A_241, %parallel_loop3A_245 : vector<16xf32>
      %parallel_loop3A_247 = arith.minimumf %parallel_loop3A_241, %parallel_loop3A_245 : vector<16xf32>
      %parallel_loop3A_248 = arith.subf %parallel_loop3A_247, %parallel_loop3A_246 : vector<16xf32>
      %parallel_loop3A_249 = math.exp %parallel_loop3A_248 : vector<16xf32>
      %parallel_loop3A_250 = arith.constant 1.000000e+00 : f32
      %parallel_loop3A_251 = vector.broadcast %parallel_loop3A_250 : f32 to vector<16xf32>
      %parallel_loop3A_252 = arith.addf %parallel_loop3A_249, %parallel_loop3A_251 : vector<16xf32>
      %parallel_loop3A_253 = arith.addf %parallel_loop3A_226, %parallel_loop3A_246 : vector<16xf32>
      %parallel_loop3A_254 = arith.mulf %parallel_loop3A_249, %parallel_loop3A_247 : vector<16xf32>
      %parallel_loop3A_255 = arith.addf %parallel_loop3A_246, %parallel_loop3A_254 : vector<16xf32>
      %parallel_loop3A_256 = arith.constant 6 : i32
      %parallel_loop3A_257 = arith.index_cast %parallel_loop3A_256 : i32 to index
      %parallel_loop3A_258 = arith.index_cast %parallel_loop3A_21 : i32 to index
      %parallel_loop3A_259 = tpu.vector_load %arg7[%parallel_loop3A_257, %parallel_loop3A_258] {strides = array<i32>} : memref<10x512xi32, #tpu.memory_space<vmem>>, vector<16xi32>,
      %parallel_loop3A_260 = arith.sitofp %parallel_loop3A_259 : vector<16xi32> to vector<16xf32>
      %parallel_loop3A_261 = arith.subf %parallel_loop3A_245, %parallel_loop3A_241 : vector<16xf32>
      %parallel_loop3A_262 = arith.mulf %parallel_loop3A_260, %parallel_loop3A_261 : vector<16xf32>
      %parallel_loop3A_263 = arith.addf %parallel_loop3A_241, %parallel_loop3A_262 : vector<16xf32>
      %parallel_loop3A_264 = arith.addf %parallel_loop3A_237, %parallel_loop3A_263 : vector<16xf32>
      %parallel_loop3A_265 = arith.constant 19 : i32
      %parallel_loop3A_266 = arith.index_cast %parallel_loop3A_265 : i32 to index
      %parallel_loop3A_267 = arith.index_cast %parallel_loop3A_21 : i32 to index
      %parallel_loop3A_268 = tpu.vector_load %arg6[%parallel_loop3A_266, %parallel_loop3A_267] {strides = array<i32>} : memref<25x512xf32, #tpu.memory_space<vmem>>, vector<16xf32>,
      %parallel_loop3A_269 = arith.constant 20 : i32
      %parallel_loop3A_270 = arith.index_cast %parallel_loop3A_269 : i32 to index
      %parallel_loop3A_271 = arith.index_cast %parallel_loop3A_21 : i32 to index
      %parallel_loop3A_272 = tpu.vector_load %arg6[%parallel_loop3A_270, %parallel_loop3A_271] {strides = array<i32>} : memref<25x512xf32, #tpu.memory_space<vmem>>, vector<16xf32>,
      %parallel_loop3A_273 = arith.maximumf %parallel_loop3A_268, %parallel_loop3A_272 : vector<16xf32>
      %parallel_loop3A_274 = arith.minimumf %parallel_loop3A_268, %parallel_loop3A_272 : vector<16xf32>
      %parallel_loop3A_275 = arith.subf %parallel_loop3A_274, %parallel_loop3A_273 : vector<16xf32>
      %parallel_loop3A_276 = math.exp %parallel_loop3A_275 : vector<16xf32>
      %parallel_loop3A_277 = arith.constant 1.000000e+00 : f32
      %parallel_loop3A_278 = vector.broadcast %parallel_loop3A_277 : f32 to vector<16xf32>
      %parallel_loop3A_279 = arith.addf %parallel_loop3A_276, %parallel_loop3A_278 : vector<16xf32>
      %parallel_loop3A_280 = arith.addf %parallel_loop3A_253, %parallel_loop3A_273 : vector<16xf32>
      %parallel_loop3A_281 = arith.mulf %parallel_loop3A_276, %parallel_loop3A_274 : vector<16xf32>
      %parallel_loop3A_282 = arith.addf %parallel_loop3A_273, %parallel_loop3A_281 : vector<16xf32>
      %parallel_loop3A_283 = arith.constant 7 : i32
      %parallel_loop3A_284 = arith.index_cast %parallel_loop3A_283 : i32 to index
      %parallel_loop3A_285 = arith.index_cast %parallel_loop3A_21 : i32 to index
      %parallel_loop3A_286 = tpu.vector_load %arg7[%parallel_loop3A_284, %parallel_loop3A_285] {strides = array<i32>} : memref<10x512xi32, #tpu.memory_space<vmem>>, vector<16xi32>,
      %parallel_loop3A_287 = arith.sitofp %parallel_loop3A_286 : vector<16xi32> to vector<16xf32>
      %parallel_loop3A_288 = arith.subf %parallel_loop3A_272, %parallel_loop3A_268 : vector<16xf32>
      %parallel_loop3A_289 = arith.mulf %parallel_loop3A_287, %parallel_loop3A_288 : vector<16xf32>
      %parallel_loop3A_290 = arith.addf %parallel_loop3A_268, %parallel_loop3A_289 : vector<16xf32>
      %parallel_loop3A_291 = arith.addf %parallel_loop3A_264, %parallel_loop3A_290 : vector<16xf32>
      %parallel_loop3A_292 = arith.constant 21 : i32
      %parallel_loop3A_293 = arith.index_cast %parallel_loop3A_292 : i32 to index
      %parallel_loop3A_294 = arith.index_cast %parallel_loop3A_21 : i32 to index
      %parallel_loop3A_295 = tpu.vector_load %arg6[%parallel_loop3A_293, %parallel_loop3A_294] {strides = array<i32>} : memref<25x512xf32, #tpu.memory_space<vmem>>, vector<16xf32>,
      %parallel_loop3A_296 = arith.constant 22 : i32
      %parallel_loop3A_297 = arith.index_cast %parallel_loop3A_296 : i32 to index
      %parallel_loop3A_298 = arith.index_cast %parallel_loop3A_21 : i32 to index
      %parallel_loop3A_299 = tpu.vector_load %arg6[%parallel_loop3A_297, %parallel_loop3A_298] {strides = array<i32>} : memref<25x512xf32, #tpu.memory_space<vmem>>, vector<16xf32>,
      %parallel_loop3A_300 = arith.maximumf %parallel_loop3A_295, %parallel_loop3A_299 : vector<16xf32>
      %parallel_loop3A_301 = arith.minimumf %parallel_loop3A_295, %parallel_loop3A_299 : vector<16xf32>
      %parallel_loop3A_302 = arith.subf %parallel_loop3A_301, %parallel_loop3A_300 : vector<16xf32>
      %parallel_loop3A_303 = math.exp %parallel_loop3A_302 : vector<16xf32>
      %parallel_loop3A_304 = arith.constant 1.000000e+00 : f32
      %parallel_loop3A_305 = vector.broadcast %parallel_loop3A_304 : f32 to vector<16xf32>
      %parallel_loop3A_306 = arith.addf %parallel_loop3A_303, %parallel_loop3A_305 : vector<16xf32>
      %parallel_loop3A_307 = arith.addf %parallel_loop3A_280, %parallel_loop3A_300 : vector<16xf32>
      %parallel_loop3A_308 = arith.mulf %parallel_loop3A_303, %parallel_loop3A_301 : vector<16xf32>
      %parallel_loop3A_309 = arith.addf %parallel_loop3A_300, %parallel_loop3A_308 : vector<16xf32>
      %parallel_loop3A_310 = arith.constant 8 : i32
      %parallel_loop3A_311 = arith.index_cast %parallel_loop3A_310 : i32 to index
      %parallel_loop3A_312 = arith.index_cast %parallel_loop3A_21 : i32 to index
      %parallel_loop3A_313 = tpu.vector_load %arg7[%parallel_loop3A_311, %parallel_loop3A_312] {strides = array<i32>} : memref<10x512xi32, #tpu.memory_space<vmem>>, vector<16xi32>,
      %parallel_loop3A_314 = arith.sitofp %parallel_loop3A_313 : vector<16xi32> to vector<16xf32>
      %parallel_loop3A_315 = arith.subf %parallel_loop3A_299, %parallel_loop3A_295 : vector<16xf32>
      %parallel_loop3A_316 = arith.mulf %parallel_loop3A_314, %parallel_loop3A_315 : vector<16xf32>
      %parallel_loop3A_317 = arith.addf %parallel_loop3A_295, %parallel_loop3A_316 : vector<16xf32>
      %parallel_loop3A_318 = arith.addf %parallel_loop3A_291, %parallel_loop3A_317 : vector<16xf32>
      %parallel_loop3A_319 = arith.constant 23 : i32
      %parallel_loop3A_320 = arith.index_cast %parallel_loop3A_319 : i32 to index
      %parallel_loop3A_321 = arith.index_cast %parallel_loop3A_21 : i32 to index
      %parallel_loop3A_322 = tpu.vector_load %arg6[%parallel_loop3A_320, %parallel_loop3A_321] {strides = array<i32>} : memref<25x512xf32, #tpu.memory_space<vmem>>, vector<16xf32>,
      %parallel_loop3A_323 = arith.constant 24 : i32
      %parallel_loop3A_324 = arith.index_cast %parallel_loop3A_323 : i32 to index
      %parallel_loop3A_325 = arith.index_cast %parallel_loop3A_21 : i32 to index
      %parallel_loop3A_326 = tpu.vector_load %arg6[%parallel_loop3A_324, %parallel_loop3A_325] {strides = array<i32>} : memref<25x512xf32, #tpu.memory_space<vmem>>, vector<16xf32>,
      %parallel_loop3A_327 = arith.maximumf %parallel_loop3A_322, %parallel_loop3A_326 : vector<16xf32>
      %parallel_loop3A_328 = arith.minimumf %parallel_loop3A_322, %parallel_loop3A_326 : vector<16xf32>
      %parallel_loop3A_329 = arith.subf %parallel_loop3A_328, %parallel_loop3A_327 : vector<16xf32>
      %parallel_loop3A_330 = math.exp %parallel_loop3A_329 : vector<16xf32>
      %parallel_loop3A_331 = arith.constant 1.000000e+00 : f32
      %parallel_loop3A_332 = vector.broadcast %parallel_loop3A_331 : f32 to vector<16xf32>
      %parallel_loop3A_333 = arith.addf %parallel_loop3A_330, %parallel_loop3A_332 : vector<16xf32>
      %parallel_loop3A_334 = arith.addf %parallel_loop3A_307, %parallel_loop3A_327 : vector<16xf32>
      %parallel_loop3A_335 = arith.mulf %parallel_loop3A_330, %parallel_loop3A_328 : vector<16xf32>
      %parallel_loop3A_336 = arith.addf %parallel_loop3A_327, %parallel_loop3A_335 : vector<16xf32>
      %parallel_loop3A_337 = arith.constant 9 : i32
      %parallel_loop3A_338 = arith.index_cast %parallel_loop3A_337 : i32 to index
      %parallel_loop3A_339 = arith.index_cast %parallel_loop3A_21 : i32 to index
      %parallel_loop3A_340 = tpu.vector_load %arg7[%parallel_loop3A_338, %parallel_loop3A_339] {strides = array<i32>} : memref<10x512xi32, #tpu.memory_space<vmem>>, vector<16xi32>,
      %parallel_loop3A_341 = arith.sitofp %parallel_loop3A_340 : vector<16xi32> to vector<16xf32>
      %parallel_loop3A_342 = arith.subf %parallel_loop3A_326, %parallel_loop3A_322 : vector<16xf32>
      %parallel_loop3A_343 = arith.mulf %parallel_loop3A_341, %parallel_loop3A_342 : vector<16xf32>
      %parallel_loop3A_344 = arith.addf %parallel_loop3A_322, %parallel_loop3A_343 : vector<16xf32>
      %parallel_loop3A_345 = arith.addf %parallel_loop3A_318, %parallel_loop3A_344 : vector<16xf32>
      %parallel_loop3A_346 = arith.mulf %parallel_loop3A_53, %parallel_loop3A_84 : vector<16xf32>
      %parallel_loop3A_347 = arith.mulf %parallel_loop3A_90, %parallel_loop3A_47 : vector<16xf32>
      %parallel_loop3A_348 = arith.addf %parallel_loop3A_346, %parallel_loop3A_347 : vector<16xf32>
      %parallel_loop3A_349 = arith.mulf %parallel_loop3A_47, %parallel_loop3A_84 : vector<16xf32>
      %parallel_loop3A_350 = arith.mulf %parallel_loop3A_127, %parallel_loop3A_158 : vector<16xf32>
      %parallel_loop3A_351 = arith.mulf %parallel_loop3A_164, %parallel_loop3A_121 : vector<16xf32>
      %parallel_loop3A_352 = arith.addf %parallel_loop3A_350, %parallel_loop3A_351 : vector<16xf32>
      %parallel_loop3A_353 = arith.mulf %parallel_loop3A_121, %parallel_loop3A_158 : vector<16xf32>
      %parallel_loop3A_354 = arith.mulf %parallel_loop3A_201, %parallel_loop3A_225 : vector<16xf32>
      %parallel_loop3A_355 = arith.mulf %parallel_loop3A_228, %parallel_loop3A_195 : vector<16xf32>
      %parallel_loop3A_356 = arith.addf %parallel_loop3A_354, %parallel_loop3A_355 : vector<16xf32>
      %parallel_loop3A_357 = arith.mulf %parallel_loop3A_195, %parallel_loop3A_225 : vector<16xf32>
      %parallel_loop3A_358 = arith.mulf %parallel_loop3A_255, %parallel_loop3A_279 : vector<16xf32>
      %parallel_loop3A_359 = arith.mulf %parallel_loop3A_282, %parallel_loop3A_252 : vector<16xf32>
      %parallel_loop3A_360 = arith.addf %parallel_loop3A_358, %parallel_loop3A_359 : vector<16xf32>
      %parallel_loop3A_361 = arith.mulf %parallel_loop3A_252, %parallel_loop3A_279 : vector<16xf32>
      %parallel_loop3A_362 = arith.mulf %parallel_loop3A_309, %parallel_loop3A_333 : vector<16xf32>
      %parallel_loop3A_363 = arith.mulf %parallel_loop3A_336, %parallel_loop3A_306 : vector<16xf32>
      %parallel_loop3A_364 = arith.addf %parallel_loop3A_362, %parallel_loop3A_363 : vector<16xf32>
      %parallel_loop3A_365 = arith.mulf %parallel_loop3A_306, %parallel_loop3A_333 : vector<16xf32>
      %parallel_loop3A_366 = arith.mulf %parallel_loop3A_349, %parallel_loop3A_353 : vector<16xf32>
      %parallel_loop3A_367 = arith.mulf %parallel_loop3A_357, %parallel_loop3A_361 : vector<16xf32>
      %parallel_loop3A_368 = arith.mulf %parallel_loop3A_348, %parallel_loop3A_353 : vector<16xf32>
      %parallel_loop3A_369 = arith.mulf %parallel_loop3A_352, %parallel_loop3A_349 : vector<16xf32>
      %parallel_loop3A_370 = arith.addf %parallel_loop3A_368, %parallel_loop3A_369 : vector<16xf32>
      %parallel_loop3A_371 = arith.mulf %parallel_loop3A_356, %parallel_loop3A_361 : vector<16xf32>
      %parallel_loop3A_372 = arith.mulf %parallel_loop3A_360, %parallel_loop3A_357 : vector<16xf32>
      %parallel_loop3A_373 = arith.addf %parallel_loop3A_371, %parallel_loop3A_372 : vector<16xf32>
      %parallel_loop3A_374 = arith.mulf %parallel_loop3A_366, %parallel_loop3A_367 : vector<16xf32>
      %parallel_loop3A_375 = arith.mulf %parallel_loop3A_370, %parallel_loop3A_367 : vector<16xf32>
      %parallel_loop3A_376 = arith.mulf %parallel_loop3A_373, %parallel_loop3A_366 : vector<16xf32>
      %parallel_loop3A_377 = arith.addf %parallel_loop3A_375, %parallel_loop3A_376 : vector<16xf32>
      %parallel_loop3A_378 = arith.mulf %parallel_loop3A_377, %parallel_loop3A_365 : vector<16xf32>
      %parallel_loop3A_379 = arith.mulf %parallel_loop3A_364, %parallel_loop3A_374 : vector<16xf32>
      %parallel_loop3A_380 = arith.addf %parallel_loop3A_378, %parallel_loop3A_379 : vector<16xf32>
      %parallel_loop3A_381 = arith.mulf %parallel_loop3A_374, %parallel_loop3A_365 : vector<16xf32>
      %parallel_loop3A_382 = arith.divf %parallel_loop3A_380, %parallel_loop3A_381 : vector<16xf32>
      %parallel_loop3A_383 = vector.bitcast %parallel_loop3A_381 : vector<16xf32> to vector<16xi32>
      %parallel_loop3A_384 = arith.constant 23 : i32
      %parallel_loop3A_385 = vector.broadcast %parallel_loop3A_384 : i32 to vector<16xi32>
      %parallel_loop3A_386 = arith.shrsi %parallel_loop3A_383, %parallel_loop3A_385 : vector<16xi32>
      %parallel_loop3A_387 = arith.constant 127 : i32
      %parallel_loop3A_388 = vector.broadcast %parallel_loop3A_387 : i32 to vector<16xi32>
      %parallel_loop3A_389 = arith.subi %parallel_loop3A_386, %parallel_loop3A_388 : vector<16xi32>
      %parallel_loop3A_390 = arith.constant 8388607 : i32
      %parallel_loop3A_391 = vector.broadcast %parallel_loop3A_390 : i32 to vector<16xi32>
      %parallel_loop3A_392 = arith.andi %parallel_loop3A_383, %parallel_loop3A_391 : vector<16xi32>
      %parallel_loop3A_393 = arith.constant 1065353216 : i32
      %parallel_loop3A_394 = vector.broadcast %parallel_loop3A_393 : i32 to vector<16xi32>
      %parallel_loop3A_395 = arith.ori %parallel_loop3A_392, %parallel_loop3A_394 : vector<16xi32>
      %parallel_loop3A_396 = vector.bitcast %parallel_loop3A_395 : vector<16xi32> to vector<16xf32>
      %parallel_loop3A_397 = arith.constant 1.41421354 : f32
      %parallel_loop3A_398 = vector.broadcast %parallel_loop3A_397 : f32 to vector<16xf32>
      %parallel_loop3A_399 = arith.subf %parallel_loop3A_396, %parallel_loop3A_398 : vector<16xf32>
      %parallel_loop3A_400 = arith.constant 1.41421354 : f32
      %parallel_loop3A_401 = vector.broadcast %parallel_loop3A_400 : f32 to vector<16xf32>
      %parallel_loop3A_402 = arith.addf %parallel_loop3A_396, %parallel_loop3A_401 : vector<16xf32>
      %parallel_loop3A_403 = arith.divf %parallel_loop3A_399, %parallel_loop3A_402 : vector<16xf32>
      %parallel_loop3A_404 = arith.mulf %parallel_loop3A_403, %parallel_loop3A_403 : vector<16xf32>
      %parallel_loop3A_405 = arith.constant 2.000000e-01 : f32
      %parallel_loop3A_406 = vector.broadcast %parallel_loop3A_405 : f32 to vector<16xf32>
      %parallel_loop3A_407 = arith.mulf %parallel_loop3A_404, %parallel_loop3A_406 : vector<16xf32>
      %parallel_loop3A_408 = arith.constant 0.333333343 : f32
      %parallel_loop3A_409 = vector.broadcast %parallel_loop3A_408 : f32 to vector<16xf32>
      %parallel_loop3A_410 = arith.addf %parallel_loop3A_407, %parallel_loop3A_409 : vector<16xf32>
      %parallel_loop3A_411 = arith.mulf %parallel_loop3A_404, %parallel_loop3A_410 : vector<16xf32>
      %parallel_loop3A_412 = arith.constant 1.000000e+00 : f32
      %parallel_loop3A_413 = vector.broadcast %parallel_loop3A_412 : f32 to vector<16xf32>
      %parallel_loop3A_414 = arith.addf %parallel_loop3A_411, %parallel_loop3A_413 : vector<16xf32>
      %parallel_loop3A_415 = arith.sitofp %parallel_loop3A_389 : vector<16xi32> to vector<16xf32>
      %parallel_loop3A_416 = arith.constant 0.693147182 : f32
      %parallel_loop3A_417 = vector.broadcast %parallel_loop3A_416 : f32 to vector<16xf32>
      %parallel_loop3A_418 = arith.mulf %parallel_loop3A_415, %parallel_loop3A_417 : vector<16xf32>
      %parallel_loop3A_419 = arith.constant 2.000000e+00 : f32
      %parallel_loop3A_420 = vector.broadcast %parallel_loop3A_419 : f32 to vector<16xf32>
      %parallel_loop3A_421 = arith.mulf %parallel_loop3A_420, %parallel_loop3A_403 : vector<16xf32>
      %parallel_loop3A_422 = arith.mulf %parallel_loop3A_421, %parallel_loop3A_414 : vector<16xf32>
      %parallel_loop3A_423 = arith.constant 0.346573591 : f32
      %parallel_loop3A_424 = vector.broadcast %parallel_loop3A_423 : f32 to vector<16xf32>
      %parallel_loop3A_425 = arith.addf %parallel_loop3A_424, %parallel_loop3A_422 : vector<16xf32>
      %parallel_loop3A_426 = arith.addf %parallel_loop3A_418, %parallel_loop3A_425 : vector<16xf32>
      %parallel_loop3A_427 = arith.addf %parallel_loop3A_334, %parallel_loop3A_426 : vector<16xf32>
      %parallel_loop3A_428 = arith.subf %parallel_loop3A_345, %parallel_loop3A_427 : vector<16xf32>
      %parallel_loop3A_429 = arith.index_cast %parallel_loop3A_21 : i32 to index
      %parallel_loop3A_430 = tpu.vector_load %arg8[%parallel_loop3A_429] {strides = array<i32>} : memref<512xf32, #tpu.memory_space<vmem>>, vector<16xf32>,
      tpu.vector_store %arg8[%parallel_loop3A_429], %parallel_loop3A_428 {strides = array<i32>} : memref<512xf32, #tpu.memory_space<vmem>>, vector<16xf32>,
      %parallel_loop3A_431 = arith.subf %parallel_loop3A_427, %parallel_loop3A_382 : vector<16xf32>
      %parallel_loop3A_432 = arith.index_cast %parallel_loop3A_21 : i32 to index
      %parallel_loop3A_433 = tpu.vector_load %arg9[%parallel_loop3A_432] {strides = array<i32>} : memref<512xf32, #tpu.memory_space<vmem>>, vector<16xf32>,
      tpu.vector_store %arg9[%parallel_loop3A_432], %parallel_loop3A_431 {strides = array<i32>} : memref<512xf32, #tpu.memory_space<vmem>>, vector<16xf32>,
    } {sc.loop_unroll_factor = 1 : i64, sc.parallel_access}
    "tpu.region"() ({
      %run_scoped3A = tpu.sem_alloc : memref<!tpu.dma_semaphore, #tpu.memory_space<semaphore_mem>>
      %dma_start3A_19 = tpu.memref_slice %arg4[%mul3A_2] : memref<16384xf32, #tpu.memory_space<hbm>> -> memref<512xf32, #tpu.memory_space<hbm>>
      %dma_start3A_20 = tpu.memref_slice %arg4[%mul3A_2] : memref<16384xf32, #tpu.memory_space<hbm>> -> memref<512xf32, #tpu.memory_space<hbm>>
      tpu.enqueue_dma source(%arg8 : memref<512xf32, #tpu.memory_space<vmem>>) target(%dma_start3A_20 : memref<512xf32, #tpu.memory_space<hbm>>) target_semaphore(%run_scoped3A : memref<!tpu.dma_semaphore, #tpu.memory_space<semaphore_mem>>)
      %dma_wait3A_21 = tpu.memref_slice %arg4[%mul3A_2] : memref<16384xf32, #tpu.memory_space<hbm>> -> memref<512xf32, #tpu.memory_space<hbm>>
      %dma_wait3A_22 = tpu.memref_slice %arg4[%mul3A_2] : memref<16384xf32, #tpu.memory_space<hbm>> -> memref<512xf32, #tpu.memory_space<hbm>>
      tpu.wait_dma2 semaphore(%run_scoped3A : memref<!tpu.dma_semaphore, #tpu.memory_space<semaphore_mem>>) src(%arg8 : memref<512xf32, #tpu.memory_space<vmem>>) dst(%dma_wait3A_22 : memref<512xf32, #tpu.memory_space<hbm>>)
      tpu.yield
    }) : () -> ()
    "tpu.region"() ({
      %run_scoped3A = tpu.sem_alloc : memref<!tpu.dma_semaphore, #tpu.memory_space<semaphore_mem>>
      %dma_start3A_19 = tpu.memref_slice %arg5[%mul3A_2] : memref<16384xf32, #tpu.memory_space<hbm>> -> memref<512xf32, #tpu.memory_space<hbm>>
      %dma_start3A_20 = tpu.memref_slice %arg5[%mul3A_2] : memref<16384xf32, #tpu.memory_space<hbm>> -> memref<512xf32, #tpu.memory_space<hbm>>
      tpu.enqueue_dma source(%arg9 : memref<512xf32, #tpu.memory_space<vmem>>) target(%dma_start3A_20 : memref<512xf32, #tpu.memory_space<hbm>>) target_semaphore(%run_scoped3A : memref<!tpu.dma_semaphore, #tpu.memory_space<semaphore_mem>>)
      %dma_wait3A_21 = tpu.memref_slice %arg5[%mul3A_2] : memref<16384xf32, #tpu.memory_space<hbm>> -> memref<512xf32, #tpu.memory_space<hbm>>
      %dma_wait3A_22 = tpu.memref_slice %arg5[%mul3A_2] : memref<16384xf32, #tpu.memory_space<hbm>> -> memref<512xf32, #tpu.memory_space<hbm>>
      tpu.wait_dma2 semaphore(%run_scoped3A : memref<!tpu.dma_semaphore, #tpu.memory_space<semaphore_mem>>) src(%arg9 : memref<512xf32, #tpu.memory_space<vmem>>) dst(%dma_wait3A_22 : memref<512xf32, #tpu.memory_space<hbm>>)
      tpu.yield
    }) : () -> ()
    return
  }
}

</mosaic_0001>

<sc_bundles>
// kernel: kernel.3.cloned.1.call-start
scs
__scs_entry_jumppad:
0x0: {  	(pc) =	sbr.rel $0x88, $3  }
0x1: {  	(tag) =	ssettag $0x0;
	lr =	simm.s32 $0x1  }
0x2: {  	[smem:$0x3F9F] =	sst lr;
	_ =	strace $0xD0000000  }
0x3: {  	_ = 	snop  }
0x4: {  	_ = 	snop  }
0x5: {  	_ = 	snop  }
0x6: {  	_ = 	snop  }
0x7: {  	_ = 	snop  }
__scs_overlays_trampoline_lowered:
0x8: {  	[smem:$0x3FAE] =	sst s0  }
0x9: {  	[smem:$0x3FAF] =	sst s1  }
0xa: {  	[smem:$0x3FB0] =	sst s2  }
0xb: {  	[smem:$0x3FB1] =	sst s3  }
0xc: {  	[smem:$0x3FB2] =	sst s4  }
0xd: {  	[smem:$0x3FB3] =	sst s5  }
0xe: {  	[smem:$0x3FB4] =	sst s6  }
0xf: {  	[smem:$0x3FB5] =	sst s7  }
0x10: {  	[smem:$0x3FB6] =	sst s8  }
0x11: {  	[smem:$0x3FB7] =	sst s9;
	s0 =	simm.s32 @!p0 $0x0  }
0x12: {  	s1 =	sld [smem:$0x3F9D];
	s0 =	simm.s32 @p0 $0x1  }
0x13: {  	[smem:$0x3FB8] =	sst s0;
	s0 =	simm.s32 @!p1 $0x0  }
0x14: {  	s2 =	sld [smem:$0x3F9C];
	s0 =	simm.s32 @p1 $0x1  }
0x15: {  	[smem:$0x3FB9] =	sst s0;
	s0 =	simm.s32 @!p2 $0x0  }
0x16: {  	s3 =	sld [smem:$0x3FDB];
	s0 =	simm.s32 @p2 $0x1  }
0x17: {  	s4 =	simm.s32 $0x1BF5;
	[smem:$0x3FBB] =	sst s0  }
0x18: {  	s0 =	sld [smem:$0x3F9E];
	_ =	swait.ge [sflag:s4], $0x0  }
0x19: {  	s7 =	sld [smem:$0x3F9F]  }
0x1a: {  	s8 =	sadd.s32 $0xFFFFE003, lr  }
0x1b: {  	s9 =	sadd.s32 $0xFFFFFEF7, lr;
	s5 =	simm.s32 $0xFFFFFFFF;
	p2 =	slt.u32 s8, $0xFFFFF086  }
0x1c: {  	p1 =	slt.u32 s9, $0xF7A;
	s5 =	simm.s32 @!p2 $0x0  }
0x1d: {  	s5 =	simm.s32 @p1 $0x1;
	p0 =	seq.s32 s7, s2  }
0x1e: {  	s7 =	smul.u32 @!p0 $0xF7A, s2;
	p2 =	seq.s32 @!p0 s5, $0x0  }
0x1f: {  	s9 =	smul.u32 $0xF7A, s1;
	s8 =	simm.s32 @!p0 $0x1BF5;
	p2 =	por !p2, p0  }
0x20: {  	[sflag:s8] =	ssyncset.s32 @!p0 $0xFFFFF086;
	s6 =	sadd.s32 @!p0 s3, s7;
	s7 =	simm.s32 @!p0 $0x108  }
0x21: {  	s3 =	sadd.s32 s3, s9;
	s6 =	sadd.s32 @!p0 $0x88, s6;
	s7 =	simm.s32 @p2 $0x1082  }
0x22: {  	[simem:s7], [sflag:s8] =	dma.local @!p0 [hbm:s6], $0xF7A  }
0x23: {  	s9 =	sor.u32 $0xD0000000, s2;
	s6 =	simm.s32 $0x108;
	_ =	swait.ge @!p0 [sflag:s8], $0x0  }
0x24: {  	s3 =	sadd.s32 $0x88, s3;
	s6 =	simm.s32 @!p1 $0x1082;
	[sflag:s4] =	ssyncset.s32 $0xFFFFF086  }
0x25: {  	[simem:s6], [sflag:s4] =	dma.local [hbm:s3], $0xF7A  }
0x26: {  	[smem:$0x3F9F] =	sst s1;
	(tag) =	ssettag s2;
	_ =	strace s9  }
0x27: {  	s1 =	sld [smem:$0x3FAF]  }
0x28: {  	s2 =	sld [smem:$0x3FB0]  }
0x29: {  	s4 =	sld [smem:$0x3FB2]  }
0x2a: {  	p0 =	seq.s32 s5, $0x0;
	s5 =	sld [smem:$0x3FB3]  }
0x2b: {  	s6 =	sld [smem:$0x3FB4]  }
0x2c: {  	s7 =	sld [smem:$0x3FB5]  }
0x2d: {  	s3 =	simm.s32 $0x108;
	s8 =	sld [smem:$0x3FB6]  }
0x2e: {  	s3 =	simm.s32 @!p0 $0x1082;
	s9 =	sld [smem:$0x3FB7]  }
0x2f: {  	lr =	sadd.s32 s0, s3;
	s0 =	sld [smem:$0x3FAE]  }
0x30: {  	s3 =	sld [smem:$0x3FB1]  }
0x31: {  	[smem:$0x3FBA] =	sst s10  }
0x32: {  	s10 =	sld [smem:$0x3FB8];
	_ =	sdelay $0x3  }
0x33: {  	p0 =	seq.s32 s10, $0x1;
	s10 =	sld [smem:$0x3FBA];
	_ =	sdelay $0x3  }
0x34: {  	[smem:$0x3FBA] =	sst s10  }
0x35: {  	s10 =	sld [smem:$0x3FB9];
	_ =	sdelay $0x3  }
0x36: {  	p1 =	seq.s32 s10, $0x1;
	s10 =	sld [smem:$0x3FBA];
	_ =	sdelay $0x3  }
0x37: {  	[smem:$0x3FBA] =	sst s10  }
0x38: {  	s10 =	sld [smem:$0x3FBB]  }
0x39: {  	_ = 	snop;
	(pc) =	sbr.ind lr, $3  }
0x3a: {  	_ = 	snop  }
0x3b: {  	_ = 	snop  }
0x3c: {  	p2 =	seq.s32 s10, $0x1;
	s10 =	sld [smem:$0x3FBA]  }
0x3d: {  	_ =	shalt  }
0x3e: {  	_ =	shalt  }
0x3f: {  	_ =	shalt  }
0x40: {  	_ =	shalt  }
0x41: {  	_ =	shalt  }
0x42: {  	_ =	shalt  }
0x43: {  	_ =	shalt  }
0x44: {  	_ =	shalt  }
0x45: {  	_ =	shalt  }
0x46: {  	_ =	shalt  }
0x47: {  	_ =	shalt  }
0x48: {  	_ =	shalt  }
0x49: {  	_ =	shalt  }
0x4a: {  	_ =	shalt  }
0x4b: {  	_ =	shalt  }
0x4c: {  	_ =	shalt  }
0x4d: {  	_ =	shalt  }
0x4e: {  	_ =	shalt  }
0x4f: {  	_ =	shalt  }
0x50: {  	_ =	shalt  }
0x51: {  	_ =	shalt  }
0x52: {  	_ =	shalt  }
0x53: {  	_ =	shalt  }
0x54: {  	_ =	shalt  }
0x55: {  	_ =	shalt  }
0x56: {  	_ =	shalt  }
0x57: {  	_ =	shalt  }
0x58: {  	_ =	shalt  }
0x59: {  	_ =	shalt  }
0x5a: {  	_ =	shalt  }
0x5b: {  	_ =	shalt  }
0x5c: {  	_ =	shalt  }
0x5d: {  	_ =	shalt  }
0x5e: {  	_ =	shalt  }
0x5f: {  	_ =	shalt  }
0x60: {  	_ =	shalt  }
0x61: {  	_ =	shalt  }
0x62: {  	_ =	shalt  }
0x63: {  	_ =	shalt  }
0x64: {  	_ =	shalt  }
0x65: {  	_ =	shalt  }
0x66: {  	_ =	shalt  }
0x67: {  	_ =	shalt  }
0x68: {  	_ =	shalt  }
0x69: {  	_ =	shalt  }
0x6a: {  	_ =	shalt  }
0x6b: {  	_ =	shalt  }
0x6c: {  	_ =	shalt  }
0x6d: {  	_ =	shalt  }
0x6e: {  	_ =	shalt  }
0x6f: {  	_ =	shalt  }
0x70: {  	_ =	shalt  }
0x71: {  	_ =	shalt  }
0x72: {  	_ =	shalt  }
0x73: {  	_ =	shalt  }
0x74: {  	_ =	shalt  }
0x75: {  	_ =	shalt  }
0x76: {  	_ =	shalt  }
0x77: {  	_ =	shalt  }
0x78: {  	_ =	shalt  }
0x79: {  	_ =	shalt  }
0x7a: {  	_ =	shalt  }
0x7b: {  	_ =	shalt  }
0x7c: {  	_ =	shalt  }
0x7d: {  	_ =	shalt  }
0x7e: {  	_ =	shalt  }
0x7f: {  	_ =	shalt  }
0x80: {  	_ =	shalt  }
0x81: {  	_ =	shalt  }
0x82: {  	_ =	shalt  }
0x83: {  	_ =	shalt  }
0x84: {  	_ =	shalt  }
0x85: {  	_ =	shalt  }
0x86: {  	_ =	shalt  }
0x87: {  	_ =	shalt  }
.Lfunc_end0:
.L_simem_size_0:
called_computation_lowered:
.L_overlay_start_0:
0x88: {  	s2 =	sld [smem:$0x3FD9]  }
0x89: {  	s3 =	sld [smem:$0x3FFE];
	_ =	sdelay $0x1  }
0x8a: {  	s1 =	srdreg.scid  }
0x8b: {  	s0 =	sand.u32 $0x1, s1  }
0x8c: {  	s17 =	sshll.u32 s0, $0xA;
	s2 =	sadd.s32 s3, s2  }
0x8d: {  	s2 =	sadd.s32 s2, s17  }
0x8e: {  	[smem:$0x3FC6] =	sst s2  }
0x8f: {  	_ = 	snop  }
0x90: {  	s2 =	sld [smem:$0x3FC9]  }
0x91: {  	s18 =	sld [smem:$0x3FC8];
	(tm) =	ssettm $0x1  }
0x92: {  	s4 =	sld [smem:$0x3FFB];
	_ =	sdelay $0x3  }
0x93: {  	_ =	strace s4  }
0x94: {  	s4 =	sld [smem:$0x3FFC];
	_ =	sdelay $0x3  }
0x95: {  	_ =	strace s4  }
0x96: {  	s4 =	sld [smem:$0x3FFD];
	_ =	sdelay $0x3  }
0x97: {  	_ =	strace s4  }
0x98: {  	_ =	strace $0x8FFFFFFF  }
0x99: {  	s19 =	sld [smem:$0x3FDB];
	_ =	sdelay $0x1  }
0x9a: {  	s5 =	simm.s32 $_scs_section_size  }
0x9b: {  	s6 =	simm.s32 $_size__tile_overlayer_lowered;
	s7 =	simm.s32 $_tile_overlayer_lowered  }
0x9c: {  	s22 =	simm.s32 $0x1BFF;
	s21 =	sshll.u32 s7, $0x1;
	s4 =	sadd.s32 s5, s19  }
0x9d: {  	s8 =	simm.s32 $0x0;
	s20 =	sshll.u32 s6, $0x1;
	s6 =	sadd.s32 s21, s4  }
0x9e: {  	[timem:s8], [sflag:s22] =	dma.local [hbm:s6], s20  }
0x9f: {  	_ =	swait.ge [sflag:s22], s20  }
0xa0: {  	s5 =	ssub.s32 $0x0, s20;
	[sflag:s22] =	ssyncset.done $0x0  }
0xa1: {  	[sflag:s22] =	ssyncadd.s32 s5;
	_ =	sdelay $0x1  }
0xa2: {  	s23 =	simm.s32 $0x1B8B  }
0xa3: {  	_ =	swait.ge [sflag:s23], $0x1  }
0xa4: {  	[sflag:s23] =	ssyncset.done $0x0  }
0xa5: {  	s25 =	simm.s32 $0x1B8E;
	s24 =	sld [smem:$0x3FFE];
	[sflag:s23] =	ssyncadd.s32 $0xFFFFFFFF  }
0xa6: {  	s26 =	simm.s32 $execute0_lowered;
	[smem:$0x3FD2] =	sst s25  }
0xa7: {  	s6 =	sshll.u32 s26, $0x1;
	_ =	strace $0x80000046;
	[dreg:$0x1] =	wrdreg $0xFFFFFFFF  }
0xa8: {  	s28 =	simm.s32 $_size_execute0_lowered;
	s4 =	sadd.s32 s4, s6;
	[dreg:$0x0] =	wrdreg $0x0  }
0xa9: {  	s6 =	sshll.u32 s28, $0x1;
	[dreg:$0x2] =	wrdreg s4  }
0xaa: {  	[dreg:$0x3] =	wrdreg s6  }
0xab: {  	[dreg:$0x4] =	wrdreg $0xC0  }
0xac: {  	_ =	task [dreg:s8], $0x5FFFF  }
0xad: {  	[dreg:$0x1] =	wrdreg $0xFFFFFFFF  }
0xae: {  	[dreg:$0x0] =	wrdreg $0x60  }
0xaf: {  	[dreg:$0x2] =	wrdreg s2  }
0xb0: {  	[dreg:$0x3] =	wrdreg s18  }
0xb1: {  	[dreg:$0x4] =	wrdreg s24  }
0xb2: {  	[dreg:$0x5] =	wrdreg $0x9  }
0xb3: {  	_ =	task.clear_ibuf [dreg:s8], $0x6FFFF;
	_ =	strace $0x90000046  }
0xb4: {  	s29 =	simm.s32 $0x9;
	_ =	strace $0x80000048  }
0xb5: {  	_ =	swait.ge [sflag:s29], $0x1  }
0xb6: {  	[sflag:s29] =	ssyncadd.s32 $0xFFFFFFFF  }
0xb7: {  	_ =	strace $0x90000048  }
0xb8: {  	_ =	sfence  }
0xb9: {  	s30 =	sld [smem:$0x0];
	_ =	sdelay $0x2  }
0xba: {  	s31 =	sshll.u32 s1, $0xD;
	s1 =	sshrl.u32 s1, $0x2  }
0xbb: {  	s3 =	sand.u32 $0x4000, s31;
	s1 =	sadd.s32 s1, s30  }
0xbc: {  	s0 =	sor.u32 s3, s0;
	s1 =	sshll.u32 s1, $0x11  }
0xbd: {  	s0 =	sor.u32 s1, s0  }
0xbe: {  	s0 =	sadd.s32 $0x8F2B, s0  }
0xbf: {  	[sflag:s0] =	ssyncadd.remote.s32 $0x1  }
0xc0: {  	_ =	sfence.sel $0xFFFF  }
0xc1: {  	[dreg:$0x0] =	wrdreg $0xFFFFFFFF;
	(pc) =	sbr.abs _section_cstart, $3  }
0xc2: {  	[dreg:$0x1] =	wrdreg $0xFFFFFFFF  }
0xc3: {  	_ =	task.clear_ibuf [dreg:s8], $0x2FFFF;
	_ =	strace $0x9FFFFFFF  }
0xc4: {  	(tm) =	ssettm $0x7FFFFFFF  }
0xc5: {  	_ =	shalt  }
tec
execute0_lowered:
.L_overlay_start_1:
0x0: {  	(tag) =	ssettag $0x1  }
0x1: {  	s3 =	rddreg [dreg:$0x0]  }
0x2: {  	s1 =	srdreg.scid;
	s4 =	rddreg [dreg:$0x1]  }
0x3: {  	s0 =	stileid.u32;
	s6 =	rddreg [dreg:$0x2]  }
0x4: {  	s2 =	simm.s32 $0x0;
	s9 =	simm.s32 $0x20000;
	s10 =	simm.s32 $0x4000  }
0x5: {  	s11 =	simm.s32 $0x1;
	s12 =	simm.s32 $0x2;
	s13 =	simm.s32 $0x6000  }
0x6: {  	s14 =	simm.s32 $0x3;
	s15 =	simm.s32 $0x6200;
	s5 =	sand.u32 $0x1, s1  }
0x7: {  	s7 =	sshll.u32 s0, $0xA;
	s1 =	rddreg [dreg:$0x3];
	s8 =	sshll.u32 s5, $0x9  }
0x8: {  	s16 =	simm.s32 $0x0;
	[smem:$0x7FF] =	sst s2;
	s7 =	sor.u32 s8, s7  }
0x9: {  	s5 =	ssub.s32 $0x2, s5;
	_ =	strace $0x80000047;
	s8 =	sshrl.u32 s7, $0x3  }
0xa: {  	s31 =	sshrl.u32 s5, $0x1;
	s3 =	sadd.s32 s3, s7;
	s6 =	sadd.s32 s8, s6  }
0xb: {  	s4 =	sadd.s32 s4, s7;
	s8 =	ssub.s32 s5, s31;
	s5 =	sadd.s32 $0x800, s6  }
0xc: {  	s6 =	sadd.s32 $0x1000, s6;
	s7 =	smax.u32 s8, $0x1;
	s8 =	simm.s32 $0x1000  }
.LBB2_1:
0xd: {  	[tilespmem:s2], [sflag:$0x1] =	stream.strided.gather [hbm4b:s3+s8], $0x4000, s9, s8, $0x38;
	[tilespmem:$0x6400] =	vst v63  }
0xe: {  	_ = 	snop  }
0xf: {  	[tilespmem:s10], [sflag:$0x2] =	stream.strided.gather [hbm4b:s4+s8], $0x2000, s9, s8, $0x38;
	[tilespmem:$0x6400] =	vst v63  }
0x10: {  	_ =	swait.ge [sflag:s11], $0x4000  }
0x11: {  	[sflag:s11] =	ssyncset.done $0x0  }
0x12: {  	[sflag:s11] =	ssyncadd.s32 $0xFFFFC000  }
0x13: {  	_ =	swait.ge [sflag:s12], $0x2000  }
0x14: {  	s17 =	sand.u32 $0x70, s2;
	s18 =	sand.u32 $0xC00, s2;
	[sflag:s12] =	ssyncset.done $0x0  }
0x15: {  	s17 =	sor.u32 s17, s18;
	[sflag:s12] =	ssyncadd.s32 $0xFFFFE000  }
0x16: {  	s19 =	sor.u32 s2, s2;
	v0 =	vld [tilespmem:s17+$0x5080]  }
0x17: {  	s19 =	sor.u32 $0x380, s19;
	v7 =	vld [tilespmem:s17+$0x5000]  }
0x18: {  	v10 =	vld [tilespmem:s19+$0x4000]  }
0x19: {  	v11 =	vld [tilespmem:s17+$0x4300]  }
0x1a: {  	v12 =	vld [tilespmem:s17+$0x4280]  }
0x1b: {  	v16 =	vld [tilespmem:s17+$0x2280]  }
0x1c: {  	v22 =	vld [tilespmem:s17+$0x2300]  }
0x1d: {  	v15 =	vld [tilespmem:s17+$0x2380]  }
0x1e: {  	v33 =	vld [tilespmem:s17+$0x3000]  }
0x1f: {  	v28 =	vld [tilespmem:s17+$0x1380]  }
0x20: {  	v14 =	vld [tilespmem:s17+$0x2000]  }
0x21: {  	v21 =	vld [tilespmem:s17+$0x2080]  }
0x22: {  	v24 =	vld [tilespmem:s17+$0x2100]  }
0x23: {  	v31 =	vld [tilespmem:s17+$0x2180]  }
0x24: {  	v26 =	vld [tilespmem:s17+$0x2200]  }
0x25: {  	v9 =	vld [tilespmem:s17+$0x0]  }
0x26: {  	v18 =	vld [tilespmem:s17+$0x80]  }
0x27: {  	v6 =	vld [tilespmem:s17+$0x300]  }
0x28: {  	v4 =	vld [tilespmem:s17+$0x1080]  }
0x29: {  	v19 =	vld [tilespmem:s17+$0x1100]  }
0x2a: {  	v5 =	vld [tilespmem:s17+$0x1200]  }
0x2b: {  	v13 =	vld [tilespmem:s19+$0x0]  }
0x2c: {  	v20 =	vld [tilespmem:s17+$0x1280];
	v34 =	vcvt.s32.f32 v0;
	v35 =	vcvt.s32.f32 v7;
	v36 =	vsub.f32 v33, v15  }
0x2d: {  	v8 =	vld [tilespmem:s17+$0x1000];
	v37 =	vcvt.s32.f32 v10;
	v10 =	vsub.f32 v22, v16;
	v38 =	vcvt.s32.f32 v11  }
0x2e: {  	v25 =	vld [tilespmem:s17+$0x1180];
	v39 =	vsub.f32 v26, v31;
	v40 =	vcvt.s32.f32 v12;
	v41 =	vsub.f32 v14, v28  }
0x2f: {  	v23 =	vld [tilespmem:s17+$0x1300];
	v42 =	vsub.f32 v24, v21;
	v32 =	vsub.f32 v18, v9;
	v0 =	vmax.f32 v16, v22  }
0x30: {  	v1 =	vmax.f32 v28, v14;
	v12 =	vmin.f32 v28, v14;
	v2 =	vmax.f32 v21, v24  }
0x31: {  	v14 =	vmin.f32 v21, v24;
	v3 =	vmax.f32 v31, v26;
	v26 =	vmin.f32 v31, v26  }
0x32: {  	v24 =	vmax.f32 v9, v18;
	v27 =	vmax.f32 v6, v13;
	v29 =	vmax.f32 v4, v19  }
0x33: {  	v7 =	vld [tilespmem:s17+$0x100];
	v43 =	vmax.f32 v5, v20;
	v44 =	vsub.f32 v12, v1;
	v45 =	vsub.f32 v14, v2  }
0x34: {  	v47 =	vmax.f32 v27, v8;
	v29 =	vmax.f32 v29, v25;
	v27 =	vmax.f32 v43, v23  }
0x35: {  	[tilespmem:$0x1FF30] =	vst v0;
	v34 =	vmul.f32 v34, v36;
	v35 =	vmul.f32 v35, v10;
	v59 =	vsub.f32 v8, v47  }
0x36: {  	v17 =	vld [tilespmem:s17+$0x200];
	[tilespmem:$0x1FF00] =	vst v1;
	v48 =	vsub.f32 v25, v29;
	v37 =	vmul.f32 v37, v39;
	v38 =	vmul.f32 v38, v42  }
0x37: {  	s18 =	sor.u32 s18, s2;
	[tilespmem:$0x1FEB0] =	vst v12;
	v49 =	vsub.f32 v6, v47;
	v40 =	vmul.f32 v40, v41;
	v58 =	vmul.f32 $1.442695020e+00, v44  }
0x38: {  	s18 =	sor.u32 $0x180, s18;
	[tilespmem:$0x1FF10] =	vst v2;
	v45 =	vmul.f32 $1.442695020e+00, v45;
	v46 =	vmax.f32 v24, v7;
	v24 =	vsub.f32 v26, v3  }
0x39: {  	v11 =	vld [tilespmem:s18+$0x0];
	[tilespmem:$0x1FEC0] =	vst v14;
	v44 =	vmul.f32 $1.442695020e+00, v59;
	v48 =	vmul.f32 $1.442695020e+00, v48;
	v10 =	vsub.f32 v7, v46  }
0x3a: {  	v62 =	vsub.f32 v13, v47;
	[tilespmem:$0x1FF20] =	vst v3;
	(erf) = vpow2.f32 v58;
	v24 =	vmul.f32 $1.442695020e+00, v24  }
0x3b: {  	v52 =	vsub.f32 v4, v29;
	[tilespmem:$0x1FED0] =	vst v26;
	(erf) = vpow2.f32 v45;
	v10 =	vmul.f32 $1.442695020e+00, v10  }
0x3c: {  	[tilespmem:$0x1FEF0] =	vst v8;
	v53 =	vmul.f32 $1.442695020e+00, v49;
	v60 =	vsub.f32 v9, v46;
	(erf) = vpow2.f32 v24  }
0x3d: {  	v56 =	vmul.f32 $1.442695020e+00, v52;
	[tilespmem:$0x1FEE0] =	vst v7;
	v61 =	vsub.f32 v18, v46;
	(erf) = vpow2.f32 v10  }
0x3e: {  	v55 =	vsub.f32 v5, v27;
	v24 =	vld [tilespmem:s17+$0x280];
	v10 =	vmul.f32 $1.442695020e+00, v60;
	(erf) = vpow2.f32 v44  }
0x3f: {  	v54 =	vsub.f32 v19, v29;
	v63 =	vmul.f32 $1.442695020e+00, v61;
	(erf) = vpow2.f32 v48  }
0x40: {  	v57 =	vsub.f32 v20, v27;
	v43 =	vmul.f32 $1.442695020e+00, v55;
	(erf) = vpow2.f32 v10  }
0x41: {  	v51 =	vsub.f32 v23, v27;
	v10 =	vmul.f32 $1.442695020e+00, v62;
	(erf) = vpow2.f32 v63  }
0x42: {  	v58 =	vmul.f32 $1.442695020e+00, v54;
	v36 =	vmax.f32 v11, v17;
	(erf) = vpow2.f32 v53  }
0x43: {  	v26 =	vmax.f32 v15, v33;
	v36 =	vmax.f32 v36, v24;
	(erf) = vpow2.f32 v10  }
0x44: {  	v33 =	vmin.f32 v15, v33;
	v49 =	vpop (erf);
	v10 =	vsub.f32 v11, v36;
	(erf) = vpow2.f32 v56  }
0x45: {  	v45 =	vmul.f32 $1.442695020e+00, v57;
	v44 =	vpop (erf);
	v50 =	vsub.f32 v17, v36;
	(erf) = vpow2.f32 v58  }
0x46: {  	v46 =	vadd.f32 $0.0e+00, v46;
	v48 =	vpop (erf);
	v10 =	vmul.f32 $1.442695020e+00, v10;
	(erf) = vpow2.f32 v43  }
0x47: {  	v61 =	vsub.f32 v33, v26;
	v59 =	vmul.f32 $1.442695020e+00, v50;
	v52 =	vpop (erf);
	(erf) = vpow2.f32 v45  }
0x48: {  	v57 =	vld [tilespmem:s17+$0x4080];
	v53 =	vpop (erf);
	v45 =	vmin.f32 v16, v22;
	v22 =	vmul.f32 $1.442695020e+00, v51;
	(erf) = vpow2.f32 v10  }
0x49: {  	v60 =	vsub.f32 v24, v36;
	v36 =	vadd.f32 v36, v46;
	v51 =	vpop (erf);
	(erf) = vpow2.f32 v59  }
0x4a: {  	v54 =	vpop (erf);
	(erf) = vpow2.f32 v22;
	v22 =	vsub.f32 v45, v0;
	v0 =	vadd.f32 v35, v16  }
0x4b: {  	v2 =	vsub.f32 v20, v5;
	v28 =	vadd.f32 v40, v28;
	v42 =	vmul.f32 $1.442695020e+00, v61;
	v62 =	vld [tilespmem:s17+$0x4000]  }
0x4c: {  	v50 =	vmul.f32 $1.442695020e+00, v60;
	v36 =	vadd.f32 v47, v36;
	[tilespmem:$0x1FF60] =	vst v0;
	v0 =	vadd.f32 v34, v15  }
0x4d: {  	v57 =	vcvt.s32.f32 v57;
	v8 =	vadd.f32 $1.000000000e+00, v49;
	v43 =	vsub.f32 v17, v11;
	v55 =	vpop (erf)  }
0x4e: {  	v29 =	vadd.f32 v29, v36;
	(erf) = vpow2.f32 v50;
	v39 =	vpop (erf);
	[tilespmem:$0x1FF70] =	vst v0;
	v0 =	vadd.f32 v38, v21  }
0x4f: {  	v40 =	vadd.f32 $1.000000000e+00, v48;
	v43 =	vmul.f32 v57, v43;
	v56 =	vpop (erf);
	v63 =	vmul.f32 $1.442695020e+00, v22  }
0x50: {  	v27 =	vadd.f32 v27, v29;
	v29 =	vld [tilespmem:$0x1FEB0];
	v50 =	vcvt.s32.f32 v62;
	v35 =	vpop (erf);
	[tilespmem:$0x1FF40] =	vst v0;
	v0 =	vadd.f32 v37, v31  }
0x51: {  	v43 =	vadd.f32 v43, v11;
	v58 =	vadd.f32 v56, v39;
	v34 =	vpop (erf);
	(erf) = vpow2.f32 v63  }
0x52: {  	v32 =	vmul.f32 v50, v32;
	v38 =	vadd.f32 $1.000000000e+00, v44;
	v31 =	vpop (erf);
	(erf) = vpow2.f32 v42;
	[tilespmem:$0x1FF50] =	vst v0  }
0x53: {  	v60 =	vadd.f32 v34, v35;
	v58 =	vadd.f32 v58, v53;
	v41 =	vpop (erf);
	v46 =	vld [tilespmem:s17+$0x4200]  }
0x54: {  	v32 =	vadd.f32 v32, v9;
	v42 =	vadd.f32 v55, v54;
	v59 =	vpop (erf);
	v37 =	vld [tilespmem:s17+$0x4100]  }
0x55: {  	v29 =	vmul.f32 v49, v29;
	v60 =	vadd.f32 v60, v51;
	v61 =	vadd.f32 v41, v31;
	v62 =	vpop (erf)  }
0x56: {  	v14 =	vmul.f32 v40, v38;
	v32 =	vadd.f32 $0.0e+00, v32;
	v63 =	vadd.f32 v62, v59;
	v50 =	vpop (erf)  }
0x57: {  	v42 =	vadd.f32 v42, v52;
	v12 =	vmul.f32 v60, v58;
	v57 =	vpop (erf);
	v61 =	vadd.f32 v61, v50  }
0x58: {  	v32 =	vadd.f32 v43, v32;
	v63 =	vadd.f32 v63, v57;
	v43 =	vcvt.s32.f32 v46  }
0x59: {  	v49 =	vld [tilespmem:$0x1FEE0];
	v10 =	vmul.f32 v8, v61;
	v37 =	vcvt.s32.f32 v37  }
0x5a: {  	v30 =	vsub.f32 v13, v6;
	v0 =	vpop (erf);
	v47 =	vmul.f32 v63, v42;
	v2 =	vmul.f32 v43, v2;
	v43 =	vld [tilespmem:$0x1FEC0]  }
0x5b: {  	v46 =	vadd.f32 $1.000000000e+00, v0;
	v1 =	vpop (erf);
	v15 =	vmul.f32 v14, v10  }
0x5c: {  	v30 =	vmul.f32 v37, v30;
	v37 =	vld [tilespmem:s18+$0x4000];
	v7 =	vadd.f32 $1.000000000e+00, v1;
	v16 =	vmul.f32 v12, v47  }
0x5d: {  	v0 =	vmul.f32 v0, v45;
	v45 =	vld [tilespmem:$0x1FED0];
	v1 =	vmul.f32 v1, v33  }
0x5e: {  	v30 =	vadd.f32 v30, v6;
	v21 =	vmul.f32 v7, v46;
	v22 =	vmul.f32 v15, v16  }
0x5f: {  	v33 =	vmul.f32 v44, v43;
	v43 =	vmul.f32 v52, v49;
	v52 =	vld [tilespmem:$0x1FEF0]  }
0x60: {  	v30 =	vadd.f32 v30, v32;
	v32 =	vmul.f32 v21, v22  }
0x61: {  	v3 =	vsub.f32 v19, v4;
	v18 =	vmul.f32 v55, v18;
	v37 =	vcvt.s32.f32 v37  }
0x62: {  	v9 =	vmul.f32 v54, v9;
	v36 =	vmul.f32 v48, v45;
	v48 =	vand.u32 $0x7FFFFF, v32  }
0x63: {  	v11 =	vmul.f32 v59, v11;
	v3 =	vmul.f32 v37, v3;
	v37 =	vor.u32 $0x3F800000, v48  }
0x64: {  	v17 =	vmul.f32 v62, v17;
	v44 =	vmul.f32 v53, v52;
	v53 =	vadd.f32 $1.414213540e+00, v37  }
0x65: {  	v13 =	vmul.f32 v56, v13;
	v9 =	vadd.f32 v18, v9;
	v3 =	vadd.f32 v3, v4;
	v52 =	vld [tilespmem:$0x1FF00]  }
0x66: {  	v11 =	vadd.f32 v17, v11;
	v6 =	vmul.f32 v39, v6;
	(erf) = vrcp.f32 v53  }
0x67: {  	v20 =	vmul.f32 v41, v20;
	v2 =	vadd.f32 v2, v5;
	v3 =	vadd.f32 v3, v30;
	v30 =	vld [tilespmem:$0x1FF10]  }
0x68: {  	v5 =	vmul.f32 v31, v5;
	v6 =	vadd.f32 v13, v6;
	v9 =	vadd.f32 v9, v43  }
0x69: {  	v31 =	vld [tilespmem:$0x1FF20];
	v4 =	vmul.f32 v35, v4;
	v2 =	vadd.f32 v2, v3;
	v3 =	vmul.f32 v34, v19  }
0x6a: {  	v25 =	vmul.f32 v51, v25;
	v13 =	vadd.f32 $-1.414213540e+00, v37;
	v27 =	vadd.f32 v52, v27  }
0x6b: {  	s30 =	simm.s32 $0x10;
	s19 =	simm.s32 $0x80;
	v23 =	vmul.f32 v50, v23;
	v3 =	vadd.f32 v3, v4;
	v4 =	vadd.f32 v20, v5  }
0x6c: {  	s21 =	sor.u32 s19, s30;
	v24 =	vmul.f32 v57, v24;
	v6 =	vadd.f32 v6, v44;
	v27 =	vadd.f32 v30, v27  }
0x6d: {  	s20 =	sand.u32 $0x70, s30;
	s31 =	sand.u32 $0xC00, s19;
	s21 =	sor.u32 $0x380, s21;
	v9 =	vmul.f32 v63, v9;
	v3 =	vadd.f32 v3, v25;
	v4 =	vadd.f32 v4, v23  }
0x6e: {  	s20 =	sor.u32 s20, s31;
	v18 =	vld [tilespmem:s21+$0x4000];
	v6 =	vmul.f32 v60, v6;
	v19 =	vadd.f32 v31, v27;
	v27 =	vadd.f32 v29, v52  }
0x6f: {  	v56 =	vld [tilespmem:s20+$0x1100];
	v29 =	vadd.f32 v33, v30;
	v31 =	vadd.f32 v36, v31;
	v3 =	vmul.f32 v3, v58;
	v17 =	vpop (erf)  }
0x70: {  	v4 =	vmul.f32 v8, v4;
	v25 =	vmul.f32 v17, v13;
	v17 =	vld [tilespmem:$0x1FF30]  }
0x71: {  	v62 =	vld [tilespmem:s20+$0x4100];
	v11 =	vadd.f32 v11, v24;
	v5 =	vmul.f32 v40, v29;
	v20 =	vmul.f32 v31, v38  }
0x72: {  	v57 =	vld [tilespmem:s20+$0x1280];
	v27 =	vmul.f32 v27, v61;
	v63 =	vmul.f32 v25, v25  }
0x73: {  	v24 =	vld [tilespmem:s20+$0x3000];
	v11 =	vmul.f32 v11, v42;
	v3 =	vadd.f32 v3, v6  }
0x74: {  	v37 =	vld [tilespmem:s20+$0x2300];
	v5 =	vadd.f32 v20, v5;
	v4 =	vadd.f32 v27, v4;
	v6 =	vmul.f32 $2.000000030e-01, v63  }
0x75: {  	v53 =	vld [tilespmem:s20+$0x5000];
	v8 =	vadd.f32 v11, v9;
	v3 =	vmul.f32 v3, v47;
	v0 =	vadd.f32 v0, v17  }
0x76: {  	v44 =	vld [tilespmem:s20+$0x2200];
	v5 =	vmul.f32 v5, v10;
	v4 =	vmul.f32 v14, v4;
	v6 =	vadd.f32 $3.333333430e-01, v6  }
0x77: {  	v23 =	vld [tilespmem:s20+$0x2080];
	v0 =	vmul.f32 v7, v0;
	v7 =	vadd.f32 v28, v2;
	v2 =	vmul.f32 v12, v8  }
0x78: {  	v30 =	vld [tilespmem:s20+$0x5080];
	v6 =	vmul.f32 v6, v63  }
0x79: {  	v9 =	vld [tilespmem:s20+$0x1380];
	v2 =	vadd.f32 v3, v2;
	v3 =	vadd.f32 v5, v4  }
0x7a: {  	v1 =	vadd.f32 v1, v26;
	v11 =	vld [tilespmem:s20+$0x2000];
	v4 =	vshra.s32 v32, $0x17;
	v5 =	vadd.f32 $1.000000000e+00, v6  }
0x7b: {  	v6 =	vadd.f32 v25, v25;
	v12 =	vmul.f32 v3, v16;
	v3 =	vadd.s32 $0xFFFFFF81, v4;
	v4 =	vld [tilespmem:$0x1FF40]  }
0x7c: {  	v29 =	vld [tilespmem:s20+$0x4300]  }
0x7d: {  	v1 =	vmul.f32 v1, v46;
	v5 =	vmul.f32 v5, v6;
	v6 =	vld [tilespmem:$0x1FF50]  }
0x7e: {  	v31 =	vld [tilespmem:s20+$0x4280];
	v10 =	vmul.f32 v15, v2  }
0x7f: {  	v61 =	vld [tilespmem:s20+$0x4200];
	v0 =	vadd.f32 v1, v0  }
0x80: {  	v40 =	vld [tilespmem:s20+$0x2380];
	v1 =	vadd.f32 v12, v10;
	v7 =	vadd.f32 v4, v7  }
0x81: {  	v38 =	vcvt.s32.f32 v18;
	v18 =	vld [tilespmem:s20+$0x100]  }
0x82: {  	v0 =	vmul.f32 v0, v22;
	v1 =	vmul.f32 v21, v1;
	v7 =	vadd.f32 v6, v7;
	v6 =	vld [tilespmem:$0x1FF60]  }
0x83: {  	v13 =	vld [tilespmem:s20+$0x2280];
	v14 =	vcvt.s32.f32 v3  }
0x84: {  	(erf) = vrcp.f32 v32;
	v8 =	vadd.f32 v17, v19;
	v0 =	vadd.f32 v0, v1;
	v1 =	vld [tilespmem:$0x1FF70]  }
0x85: {  	v20 =	vld [tilespmem:s20+$0x2180];
	v10 =	vmul.f32 $6.931471820e-01, v14;
	v12 =	vadd.f32 $3.465735910e-01, v5  }
0x86: {  	v5 =	vld [tilespmem:s20+$0x1080];
	v14 =	vadd.f32 v26, v8  }
0x87: {  	v28 =	vld [tilespmem:s20+$0x2100];
	v10 =	vadd.f32 v12, v10;
	v15 =	vadd.f32 v6, v7  }
0x88: {  	v62 =	vcvt.s32.f32 v62;
	v47 =	vcvt.s32.f32 v53;
	v2 =	vld [tilespmem:s20+$0x0]  }
0x89: {  	v46 =	vcvt.s32.f32 v30;
	v3 =	vld [tilespmem:s20+$0x80];
	v12 =	vadd.f32 v10, v14;
	v1 =	vadd.f32 v1, v15  }
0x8a: {  	v48 =	vsub.f32 v24, v40;
	v42 =	vcvt.s32.f32 v29;
	v49 =	vsub.f32 v37, v13;
	v19 =	vld [tilespmem:s20+$0x1000]  }
0x8b: {  	v39 =	vmax.f32 v13, v37;
	v4 =	vld [tilespmem:s20+$0x300];
	v50 =	vsub.f32 v1, v12;
	v1 =	vsub.f32 v56, v5  }
0x8c: {  	v60 =	vmin.f32 v13, v37;
	v41 =	vsub.f32 v44, v20;
	v46 =	vmul.f32 v46, v48;
	v10 =	vld [tilespmem:s21+$0x0]  }
0x8d: {  	v17 =	vsub.f32 v11, v9;
	v47 =	vmul.f32 v47, v49;
	v16 =	vmin.f32 v20, v44;
	v14 =	vpop (erf);
	v7 =	vld [tilespmem:s20+$0x1200];
	[tilespmem:$0x1FF80] =	vst v1  }
0x8e: {  	v43 =	vsub.f32 v28, v23;
	v34 =	vmax.f32 v2, v3;
	v0 =	vmul.f32 v0, v14;
	v21 =	vld [tilespmem:s20+$0x1180]  }
0x8f: {  	s17 =	sor.u32 s31, s30;
	v8 =	vmax.f32 v23, v28;
	v36 =	vsub.f32 v3, v2;
	v45 =	vmax.f32 v34, v18;
	v22 =	vld [tilespmem:s20+$0x1300]  }
0x90: {  	s22 =	sor.u32 $0x180, s17;
	v49 =	vsub.f32 v18, v45;
	v51 =	vsub.f32 v12, v0;
	v6 =	vmax.f32 v9, v11;
	v12 =	vld [tilespmem:s20+$0x200]  }
0x91: {  	v0 =	vcvt.s32.f32 v31;
	v31 =	vcvt.s32.f32 v61;
	v11 =	vmin.f32 v9, v11;
	v14 =	vld [tilespmem:s22+$0x0];
	[tilespmem:$0x1FF90] =	vst v6  }
0x92: {  	v61 =	vmax.f32 v40, v24;
	v52 =	vmul.f32 $1.442695020e+00, v49;
	v49 =	vsub.f32 v3, v45;
	[tilespmem:$0x1FFA0] =	vst v11  }
0x93: {  	v32 =	vsub.f32 v10, v4;
	v37 =	vmax.f32 v4, v10;
	v15 =	vmin.f32 v23, v28;
	[tilespmem:$0x1FFB0] =	vst v8  }
0x94: {  	v58 =	vsub.f32 v11, v6;
	v37 =	vmax.f32 v37, v19;
	v1 =	vmax.f32 v20, v44;
	[tilespmem:$0x1FFC0] =	vst v15  }
0x95: {  	v59 =	vsub.f32 v15, v8;
	v33 =	vsub.f32 v57, v7;
	v63 =	vmax.f32 v7, v57;
	[tilespmem:$0x1FFD0] =	vst v1  }
0x96: {  	[tilespmem:$0x1FFE0] =	vst v16;
	v55 =	vsub.f32 v16, v1;
	v34 =	vmax.f32 v63, v22;
	v63 =	vmul.f32 $1.442695020e+00, v58  }
0x97: {  	v59 =	vmul.f32 $1.442695020e+00, v59;
	v44 =	vmax.f32 v5, v56;
	[tilespmem:s13+$0x0] =	vst v50;
	v50 =	vsub.f32 v2, v45  }
0x98: {  	v58 =	vsub.f32 v19, v37;
	(erf) = vpow2.f32 v63;
	v63 =	vmul.f32 $1.442695020e+00, v55  }
0x99: {  	[tilespmem:s15+$0x0] =	vst v51;
	v35 =	vmax.f32 v44, v21;
	v48 =	vmax.f32 v14, v12;
	(erf) = vpow2.f32 v59  }
0x9a: {  	s17 =	simm.s32 $0x6200;
	s18 =	simm.s32 $0x6000;
	s21 =	simm.s32 $0x20;
	[tilespmem:$0x1FFF0] =	vst v3;
	v44 =	vsub.f32 v21, v35;
	v51 =	vmul.f32 $1.442695020e+00, v58;
	(erf) = vpow2.f32 v63  }
.LBB2_2:
0x9b: {  	_ = 	snop  }
0x9c: {  	v53 =	vsub.f32 v4, v37;
	v54 =	vmul.f32 $1.442695020e+00, v44  }
0x9d: {  	v58 =	vsub.f32 v10, v37;
	(erf) = vpow2.f32 v52;
	v50 =	vmul.f32 $1.442695020e+00, v50  }
0x9e: {  	v59 =	vsub.f32 v5, v35;
	v44 =	vld [tilespmem:s20+$0x280];
	v49 =	vmul.f32 $1.442695020e+00, v49;
	(erf) = vpow2.f32 v51  }
0x9f: {  	v63 =	vsub.f32 v56, v35;
	v53 =	vmul.f32 $1.442695020e+00, v53;
	(erf) = vpow2.f32 v54  }
0xa0: {  	[tilespmem:$0x1FE60] =	vst v56;
	v24 =	vmin.f32 v40, v24;
	v56 =	vmul.f32 $1.442695020e+00, v58;
	(erf) = vpow2.f32 v50  }
0xa1: {  	v58 =	vsub.f32 v7, v34;
	v1 =	vmul.f32 $1.442695020e+00, v59;
	(erf) = vpow2.f32 v49  }
0xa2: {  	v16 =	vmovc v60;
	v59 =	vsub.f32 v57, v34;
	v3 =	vmul.f32 $1.442695020e+00, v63;
	(erf) = vpow2.f32 v53  }
0xa3: {  	v52 =	vmul.f32 $1.442695020e+00, v58;
	v53 =	vmax.f32 v48, v44;
	v48 =	vpop (erf);
	(erf) = vpow2.f32 v56  }
0xa4: {  	v50 =	vsub.f32 v22, v34;
	v63 =	vsub.f32 v14, v53;
	v49 =	vpop (erf);
	(erf) = vpow2.f32 v1  }
0xa5: {  	v51 =	vmul.f32 $1.442695020e+00, v59;
	v55 =	vsub.f32 v12, v53;
	v54 =	vpop (erf);
	(erf) = vpow2.f32 v3  }
0xa6: {  	[tilespmem:$0x1FE70] =	vst v57;
	v8 =	vmov v62;
	v1 =	vmul.f32 $1.442695020e+00, v63;
	v57 =	vpop (erf);
	(erf) = vpow2.f32 v52  }
0xa7: {  	v63 =	vsub.f32 v44, v53;
	v52 =	vmul.f32 $1.442695020e+00, v55;
	v58 =	vpop (erf);
	(erf) = vpow2.f32 v51  }
0xa8: {  	v6 =	vadd.f32 v47, v13;
	v51 =	vmul.f32 $1.442695020e+00, v50;
	(erf) = vpow2.f32 v1;
	v50 =	vpop (erf)  }
0xa9: {  	v56 =	vsub.f32 v12, v14;
	v1 =	vmul.f32 $1.442695020e+00, v63;
	v59 =	vpop (erf);
	(erf) = vpow2.f32 v52  }
0xaa: {  	v52 =	vmul.f32 v38, v41;
	v38 =	vsub.f32 v60, v39;
	v60 =	vpop (erf);
	(erf) = vpow2.f32 v51  }
0xab: {  	v41 =	vmul.f32 v42, v43;
	v43 =	vadd.f32 $0.0e+00, v45;
	v45 =	vld [tilespmem:s20+$0x4000];
	(erf) = vpow2.f32 v1;
	v55 =	vpop (erf)  }
0xac: {  	v3 =	vadd.f32 v46, v40;
	v42 =	vsub.f32 v24, v61;
	v51 =	vld [tilespmem:s20+$0x4080];
	v1 =	vmul.f32 v0, v17;
	v63 =	vpop (erf)  }
0xad: {  	v40 =	vadd.f32 $1.000000000e+00, v48;
	v62 =	vmul.f32 $1.442695020e+00, v38;
	v41 =	vadd.f32 v41, v23;
	v47 =	vpop (erf)  }
0xae: {  	v13 =	vmul.f32 $1.442695020e+00, v42;
	v46 =	vadd.f32 v52, v20;
	v20 =	vadd.f32 v1, v9;
	v52 =	vpop (erf)  }
0xaf: {  	[tilespmem:$0x1FE80] =	vst v61;
	v9 =	vadd.f32 v60, v59;
	v42 =	vadd.f32 v63, v55;
	(erf) = vpow2.f32 v62;
	v61 =	vpop (erf)  }
0xb0: {  	v38 =	vld [tilespmem:s22+$0x4000];
	v62 =	vadd.f32 $1.000000000e+00, v54;
	v23 =	vcvt.s32.f32 v45;
	(erf) = vpow2.f32 v13;
	v0 =	vpop (erf)  }
0xb1: {  	v13 =	vcvt.s32.f32 v51;
	v51 =	vadd.f32 $1.000000000e+00, v49;
	v25 =	vadd.f32 v52, v47;
	v45 =	vpop (erf)  }
0xb2: {  	v11 =	vmul.f32 v31, v33;
	v9 =	vadd.f32 v9, v57;
	v28 =	vadd.f32 v42, v58;
	v26 =	vpop (erf)  }
0xb3: {  	v31 =	vmul.f32 v23, v36;
	v1 =	vadd.f32 v0, v61;
	v30 =	vadd.f32 v26, v45;
	v27 =	vpop (erf)  }
0xb4: {  	[tilespmem:$0x1FEA0] =	vst v3;
	v3 =	vadd.f32 v25, v50;
	v13 =	vmul.f32 v13, v56;
	v25 =	vadd.f32 v53, v43;
	v29 =	vpop (erf)  }
0xb5: {  	[tilespmem:$0x1FE90] =	vst v6;
	v38 =	vcvt.s32.f32 v38;
	v6 =	vadd.f32 v30, v29;
	v30 =	vadd.f32 v31, v2  }
0xb6: {  	v33 =	vmul.f32 v62, v51;
	v13 =	vadd.f32 v13, v14;
	v1 =	vadd.f32 v1, v27  }
0xb7: {  	v56 =	vmul.f32 v8, v32;
	v37 =	vadd.f32 v37, v25;
	v25 =	vld [tilespmem:$0x1FF80];
	v15 =	vadd.f32 $0.0e+00, v30  }
0xb8: {  	v23 =	vmul.f32 v3, v28;
	v43 =	vmul.f32 v40, v1;
	v53 =	vpop (erf)  }
0xb9: {  	v42 =	vmul.f32 v6, v9;
	v8 =	vpop (erf);
	v13 =	vadd.f32 v13, v15;
	v15 =	vadd.f32 v35, v37  }
0xba: {  	v17 =	vmovc v39;
	v36 =	vadd.f32 $1.000000000e+00, v53;
	v32 =	vmul.f32 v33, v43;
	v39 =	vadd.f32 $1.000000000e+00, v8  }
0xbb: {  	v31 =	vmul.f32 v23, v42;
	v15 =	vadd.f32 v34, v15;
	v34 =	vmul.f32 v53, v16;
	v16 =	vld [tilespmem:$0x1FFA0]  }
0xbc: {  	v38 =	vmul.f32 v38, v25  }
0xbd: {  	v25 =	vmul.f32 v39, v36;
	v30 =	vmul.f32 v32, v31  }
0xbe: {  	v56 =	vadd.f32 v56, v4  }
0xbf: {  	v11 =	vadd.f32 v11, v7;
	v10 =	vmul.f32 v63, v10;
	v63 =	vld [tilespmem:$0x1FE70];
	v37 =	vmul.f32 v25, v30  }
0xc0: {  	v35 =	vadd.f32 v38, v5;
	v13 =	vadd.f32 v56, v13;
	v38 =	vmul.f32 v48, v16;
	v16 =	vld [tilespmem:$0x1FFC0]  }
0xc1: {  	v18 =	vmul.f32 v57, v18;
	v8 =	vmul.f32 v8, v24;
	v24 =	vand.u32 $0x7FFFFF, v37  }
0xc2: {  	v19 =	vmul.f32 v58, v19;
	v13 =	vadd.f32 v35, v13;
	v24 =	vor.u32 $0x3F800000, v24  }
0xc3: {  	v7 =	vmul.f32 v61, v7;
	v22 =	vmul.f32 v27, v22;
	v27 =	vld [tilespmem:$0x1FFF0];
	v57 =	vadd.f32 $1.414213540e+00, v24  }
0xc4: {  	v0 =	vmul.f32 v0, v63;
	v4 =	vmul.f32 v55, v4;
	v11 =	vadd.f32 v11, v13;
	v13 =	vld [tilespmem:$0x1FE60]  }
0xc5: {  	(erf) = vrcp.f32 v57;
	v48 =	vmul.f32 v49, v16;
	v16 =	vld [tilespmem:$0x1FFE0]  }
0xc6: {  	v14 =	vmul.f32 v45, v14;
	v12 =	vmul.f32 v26, v12  }
0xc7: {  	v0 =	vadd.f32 v0, v7;
	v2 =	vmul.f32 v59, v2;
	v4 =	vadd.f32 v10, v4  }
0xc8: {  	v58 =	vld [tilespmem:$0x1FF90];
	v29 =	vmul.f32 v29, v44;
	v10 =	vadd.f32 v12, v14;
	v27 =	vmul.f32 v60, v27  }
0xc9: {  	v61 =	vld [tilespmem:$0x1FFD0];
	v0 =	vadd.f32 v0, v22;
	v4 =	vadd.f32 v4, v19;
	v5 =	vmul.f32 v47, v5  }
0xca: {  	s19 =	sadd.s32 $0x80, s19;
	v2 =	vadd.f32 v27, v2;
	v13 =	vmul.f32 v52, v13;
	v56 =	vmul.f32 v54, v16;
	v16 =	vld [tilespmem:$0x1FFB0]  }
0xcb: {  	s23 =	sor.u32 s19, s21;
	v21 =	vmul.f32 v50, v21;
	v10 =	vadd.f32 v10, v29;
	v0 =	vmul.f32 v40, v0  }
0xcc: {  	s30 =	sand.u32 $0x70, s21;
	s31 =	sand.u32 $0xC00, s19;
	s23 =	sor.u32 $0x380, s23;
	v19 =	vld [tilespmem:$0x1FE80];
	v3 =	vmul.f32 v3, v4;
	v2 =	vadd.f32 v2, v18;
	v5 =	vadd.f32 v13, v5  }
0xcd: {  	s20 =	sor.u32 s30, s31;
	v26 =	vld [tilespmem:s23+$0x4000];
	v9 =	vmul.f32 v10, v9;
	v15 =	vadd.f32 v58, v15;
	v13 =	vadd.f32 $-1.414213540e+00, v24  }
0xce: {  	v14 =	vld [tilespmem:s20+$0x4280];
	v2 =	vmul.f32 v6, v2;
	v5 =	vadd.f32 v5, v21;
	v60 =	vadd.f32 v56, v61;
	v18 =	vpop (erf)  }
0xcf: {  	v29 =	vld [tilespmem:s20+$0x2000];
	v18 =	vmul.f32 v18, v13;
	v15 =	vadd.f32 v16, v15;
	v16 =	vadd.f32 v48, v16  }
0xd0: {  	v40 =	vld [tilespmem:s20+$0x2380];
	v52 =	vadd.f32 v38, v58;
	v5 =	vmul.f32 v5, v28;
	v12 =	vmul.f32 v60, v51  }
0xd1: {  	v53 =	vld [tilespmem:s20+$0x5080];
	v8 =	vadd.f32 v8, v19;
	v6 =	vmul.f32 v18, v18;
	v7 =	vmul.f32 v62, v16  }
0xd2: {  	v27 =	vld [tilespmem:s20+$0x4200];
	v4 =	vadd.f32 v34, v17;
	v2 =	vadd.f32 v9, v2;
	v1 =	vmul.f32 v52, v1  }
0xd3: {  	v9 =	vld [tilespmem:s20+$0x1380];
	v3 =	vadd.f32 v5, v3;
	v5 =	vadd.f32 v12, v7;
	v7 =	vmul.f32 $2.000000030e-01, v6  }
0xd4: {  	v8 =	vmul.f32 v8, v36;
	v2 =	vmul.f32 v23, v2;
	v23 =	vld [tilespmem:s20+$0x2080];
	v0 =	vadd.f32 v1, v0  }
0xd5: {  	v57 =	vld [tilespmem:s20+$0x1280];
	v1 =	vmul.f32 v39, v4;
	v4 =	vmul.f32 v5, v43;
	v5 =	vadd.f32 $3.333333430e-01, v7  }
0xd6: {  	v49 =	vld [tilespmem:s20+$0x80];
	v0 =	vmul.f32 v33, v0;
	v3 =	vmul.f32 v3, v42  }
0xd7: {  	v24 =	vld [tilespmem:s20+$0x3000];
	(erf) = vrcp.f32 v37;
	v5 =	vmul.f32 v5, v6  }
0xd8: {  	v21 =	vld [tilespmem:s20+$0x4100];
	v2 =	vadd.f32 v3, v2;
	v3 =	vshra.s32 v37, $0x17;
	v0 =	vadd.f32 v4, v0  }
0xd9: {  	v28 =	vld [tilespmem:s20+$0x2300];
	v3 =	vadd.s32 $0xFFFFFF81, v3;
	v4 =	vadd.f32 $1.000000000e+00, v5;
	v5 =	vadd.f32 v18, v18  }
0xda: {  	v13 =	vld [tilespmem:s20+$0x2280];
	v3 =	vcvt.s32.f32 v3;
	v12 =	vmul.f32 v32, v2  }
0xdb: {  	v1 =	vadd.f32 v8, v1;
	v56 =	vld [tilespmem:s20+$0x1100];
	v0 =	vmul.f32 v0, v31;
	v5 =	vmul.f32 v4, v5  }
0xdc: {  	v15 =	vadd.f32 v61, v15;
	v61 =	vld [tilespmem:s20+$0x5000];
	v7 =	vadd.f32 v20, v11  }
0xdd: {  	v3 =	vmul.f32 $6.931471820e-01, v3;
	v0 =	vadd.f32 v0, v12;
	v12 =	vld [tilespmem:$0x1FE90];
	v8 =	vadd.f32 $3.465735910e-01, v5  }
0xde: {  	v38 =	vcvt.s32.f32 v26;
	v1 =	vmul.f32 v1, v30;
	v16 =	vld [tilespmem:s20+$0x4300];
	v7 =	vadd.f32 v41, v7  }
0xdf: {  	v62 =	vcvt.s32.f32 v21;
	v26 =	vsub.f32 v28, v13;
	v3 =	vadd.f32 v8, v3;
	v8 =	vld [tilespmem:$0x1FEA0]  }
0xe0: {  	v39 =	vmax.f32 v13, v28;
	v10 =	vadd.f32 v17, v15;
	v2 =	vld [tilespmem:s20+$0x0];
	v7 =	vadd.f32 v46, v7  }
0xe1: {  	v60 =	vmin.f32 v13, v28;
	v17 =	vsub.f32 v29, v9;
	v20 =	vld [tilespmem:s20+$0x2180];
	v0 =	vmul.f32 v25, v0  }
0xe2: {  	v28 =	vmin.f32 v9, v29;
	v11 =	vld [tilespmem:s20+$0x2200];
	v10 =	vadd.f32 v19, v10;
	v15 =	vadd.f32 v12, v7  }
0xe3: {  	v42 =	vcvt.s32.f32 v16;
	v6 =	vld [tilespmem:s20+$0x2100];
	v31 =	vcvt.s32.f32 v27;
	v0 =	vadd.f32 v1, v0  }
0xe4: {  	v27 =	vmax.f32 v9, v29;
	v4 =	vld [tilespmem:s20+$0x300];
	v12 =	vpop (erf);
	v3 =	vadd.f32 v3, v10;
	v8 =	vadd.f32 v8, v15  }
0xe5: {  	v36 =	vsub.f32 v49, v2;
	[tilespmem:$0x1FF90] =	vst v27;
	v27 =	vsub.f32 v28, v27;
	v5 =	vld [tilespmem:s20+$0x1080];
	v0 =	vmul.f32 v0, v12  }
0xe6: {  	v25 =	vsub.f32 v24, v40;
	v1 =	vcvt.s32.f32 v53;
	v7 =	vld [tilespmem:s20+$0x1200];
	v8 =	vsub.f32 v8, v3  }
0xe7: {  	s18 =	sadd.s32 $0x10, s18;
	v41 =	vsub.f32 v11, v20;
	v29 =	vmax.f32 v20, v11;
	v10 =	vld [tilespmem:s23+$0x0];
	v3 =	vsub.f32 v3, v0  }
0xe8: {  	s17 =	sadd.s32 $0x10, s17;
	v18 =	vld [tilespmem:s20+$0x100];
	v63 =	vmin.f32 v20, v11;
	v46 =	vmul.f32 v1, v25;
	v1 =	vmul.f32 $1.442695020e+00, v27;
	[tilespmem:s18+$0x0] =	vst v8  }
0xe9: {  	v43 =	vsub.f32 v6, v23;
	v16 =	vmax.f32 v23, v6;
	v30 =	vmin.f32 v23, v6;
	v19 =	vld [tilespmem:s20+$0x1000];
	[tilespmem:s17+$0x0] =	vst v3  }
0xea: {  	[tilespmem:$0x1FFA0] =	vst v28;
	v28 =	vsub.f32 v30, v16;
	(erf) = vpow2.f32 v1;
	v15 =	vcvt.s32.f32 v61;
	v21 =	vld [tilespmem:s20+$0x1180]  }
0xeb: {  	s22 =	sor.u32 s31, s21;
	v61 =	vmax.f32 v40, v24;
	v33 =	vsub.f32 v57, v7;
	v11 =	vmax.f32 v7, v57;
	v22 =	vld [tilespmem:s20+$0x1300]  }
0xec: {  	s22 =	sor.u32 $0x180, s22;
	v0 =	vcvt.s32.f32 v14;
	v32 =	vsub.f32 v10, v4;
	v8 =	vsub.f32 v56, v5;
	v12 =	vld [tilespmem:s20+$0x200]  }
0xed: {  	v6 =	vmax.f32 v4, v10;
	v47 =	vmul.f32 v15, v26;
	v3 =	vmax.f32 v2, v49;
	v14 =	vld [tilespmem:s22+$0x0]  }
0xee: {  	p0 =	sne.s32 s21, $0x1F0;
	[tilespmem:$0x1FF80] =	vst v8;
	v8 =	vmax.f32 v5, v56;
	v45 =	vmax.f32 v3, v18;
	v3 =	vsub.f32 v63, v29  }
.Ltmp0:
0xef: {  	[tilespmem:$0x1FFF0] =	vst v49;
	v50 =	vsub.f32 v2, v45;
	v49 =	vsub.f32 v49, v45;
	v37 =	vmax.f32 v6, v19;
	(pc) =	sbr.rel @p0 .LBB2_2-.Ltmp0, $4  }
0xf0: {  	[tilespmem:$0x1FFD0] =	vst v29;
	v6 =	vsub.f32 v18, v45;
	v34 =	vmax.f32 v11, v22;
	v11 =	vmul.f32 $1.442695020e+00, v28  }
0xf1: {  	[tilespmem:$0x1FFE0] =	vst v63;
	v3 =	vmul.f32 $1.442695020e+00, v3;
	v35 =	vmax.f32 v8, v21;
	v8 =	vsub.f32 v19, v37  }
0xf2: {  	[tilespmem:$0x1FFB0] =	vst v16;
	v48 =	vmax.f32 v14, v12;
	v52 =	vmul.f32 $1.442695020e+00, v6;
	(erf) = vpow2.f32 v11  }
0xf3: {  	s21 =	sadd.s32 $0x10, s21;
	[tilespmem:$0x1FFC0] =	vst v30;
	v44 =	vsub.f32 v21, v35;
	v51 =	vmul.f32 $1.442695020e+00, v8;
	(erf) = vpow2.f32 v3  }
0xf4: {  	(erf) = vpow2.f32 v52  }
0xf5: {  	v1 =	vsub.f32 v4, v37;
	v6 =	vmul.f32 $1.442695020e+00, v50;
	v16 =	vld [tilespmem:s20+$0x280];
	v3 =	vmul.f32 $1.442695020e+00, v44  }
0xf6: {  	v8 =	vsub.f32 v10, v37;
	v11 =	vmul.f32 $1.442695020e+00, v49;
	(erf) = vpow2.f32 v51  }
0xf7: {  	v1 =	vmul.f32 $1.442695020e+00, v1;
	(erf) = vpow2.f32 v3  }
0xf8: {  	v30 =	vsub.f32 v56, v35;
	v44 =	vmul.f32 $1.442695020e+00, v8;
	(erf) = vpow2.f32 v6  }
0xf9: {  	v15 =	vsub.f32 v5, v35;
	v49 =	vsub.f32 v7, v34;
	(erf) = vpow2.f32 v11  }
0xfa: {  	v3 =	vmul.f32 $1.442695020e+00, v30;
	(erf) = vpow2.f32 v1;
	v1 =	vmax.f32 v48, v16  }
0xfb: {  	v42 =	vmul.f32 v42, v43;
	v50 =	vmul.f32 $1.442695020e+00, v15;
	v25 =	vsub.f32 v14, v1  }
0xfc: {  	v51 =	vsub.f32 v57, v34;
	v8 =	vmul.f32 $1.442695020e+00, v49;
	(erf) = vpow2.f32 v44;
	v44 =	vpop (erf)  }
0xfd: {  	v27 =	vsub.f32 v22, v34;
	[tilespmem:$0x1FE10] =	vst v39;
	(erf) = vpow2.f32 v50;
	v11 =	vpop (erf);
	v25 =	vmul.f32 $1.442695020e+00, v25  }
0xfe: {  	v15 =	vmul.f32 $1.442695020e+00, v51;
	[tilespmem:$0x1FE00] =	vst v16;
	v26 =	vsub.f32 v12, v1;
	(erf) = vpow2.f32 v3;
	v3 =	vpop (erf)  }
0xff: {  	v63 =	vadd.f32 v47, v13;
	v51 =	vld [tilespmem:s20+$0x4000];
	v53 =	vsub.f32 v16, v1;
	v28 =	vpop (erf);
	(erf) = vpow2.f32 v8  }
0x100: {  	v16 =	vadd.f32 v46, v40;
	v52 =	vmul.f32 $1.442695020e+00, v26;
	v29 =	vpop (erf);
	(erf) = vpow2.f32 v15  }
0x101: {  	[tilespmem:$0x1FE40] =	vst v63;
	v26 =	vmul.f32 $1.442695020e+00, v53;
	(erf) = vpow2.f32 v25;
	v25 =	vpop (erf)  }
0x102: {  	v55 =	vsub.f32 v60, v39;
	v54 =	vmul.f32 $1.442695020e+00, v27;
	[tilespmem:$0x1FE50] =	vst v16;
	(erf) = vpow2.f32 v52;
	v27 =	vpop (erf)  }
0x103: {  	v38 =	vmul.f32 v38, v41;
	v17 =	vmul.f32 v0, v17;
	v30 =	vmin.f32 v40, v24;
	v24 =	vld [tilespmem:s20+$0x4080];
	v8 =	vpop (erf)  }
0x104: {  	v45 =	vadd.f32 $0.0e+00, v45;
	v51 =	vcvt.s32.f32 v51;
	(erf) = vpow2.f32 v54;
	v15 =	vpop (erf)  }
0x105: {  	v0 =	vmov v57;
	v58 =	vsub.f32 v30, v61;
	(erf) = vpow2.f32 v26;
	v26 =	vpop (erf)  }
0x106: {  	v59 =	vmul.f32 $1.442695020e+00, v55;
	v38 =	vadd.f32 v38, v20;
	v36 =	vmul.f32 v51, v36;
	v39 =	vpop (erf)  }
0x107: {  	v13 =	vmul.f32 $1.442695020e+00, v58;
	v58 =	vadd.f32 v42, v23;
	v1 =	vadd.f32 v1, v45;
	v49 =	vpop (erf)  }
0x108: {  	v54 =	vsub.f32 v12, v14;
	v48 =	vcvt.s32.f32 v24;
	v36 =	vadd.f32 v36, v2;
	v50 =	vpop (erf)  }
0x109: {  	v57 =	vadd.f32 $1.000000000e+00, v44;
	v51 =	vadd.f32 $1.000000000e+00, v11;
	(erf) = vpow2.f32 v59;
	v46 =	vpop (erf)  }
0x10a: {  	v48 =	vmul.f32 v48, v54;
	v36 =	vadd.f32 $0.0e+00, v36;
	(erf) = vpow2.f32 v13;
	v23 =	vpop (erf)  }
0x10b: {  	v63 =	vadd.f32 v26, v15;
	v59 =	vadd.f32 v8, v27;
	v47 =	vpop (erf)  }
0x10c: {  	v48 =	vadd.f32 v48, v14;
	v13 =	vadd.f32 v47, v23  }
0x10d: {  	v6 =	vadd.f32 v49, v39;
	v55 =	vadd.f32 v46, v50  }
0x10e: {  	v42 =	vadd.f32 v63, v29;
	v40 =	vadd.f32 v59, v28;
	v53 =	vpop (erf)  }
0x10f: {  	[tilespmem:$0x1FE20] =	vst v58;
	v41 =	vadd.f32 v6, v25;
	v43 =	vpop (erf);
	v54 =	vadd.f32 v55, v53  }
0x110: {  	v31 =	vmul.f32 v31, v33;
	v24 =	vld [tilespmem:s22+$0x4000];
	v52 =	vadd.f32 v13, v43;
	v13 =	vmovc v56;
	v56 =	vadd.f32 $1.000000000e+00, v3  }
0x111: {  	v16 =	vmov v60;
	[tilespmem:$0x1FE30] =	vst v38;
	v38 =	vmul.f32 v41, v42;
	v59 =	vmul.f32 v57, v54  }
0x112: {  	v33 =	vadd.f32 v48, v36;
	v48 =	vld [tilespmem:$0x1FF80];
	v45 =	vmul.f32 v52, v40;
	v60 =	vpop (erf);
	v58 =	vmul.f32 v56, v51  }
0x113: {  	v32 =	vmul.f32 v62, v32;
	[tilespmem:$0x1FE80] =	vst v61;
	v61 =	vadd.f32 $1.000000000e+00, v60;
	v62 =	vpop (erf)  }
0x114: {  	v63 =	vadd.f32 $1.000000000e+00, v62;
	v20 =	vmul.f32 v38, v45;
	v6 =	vmul.f32 v58, v59  }
0x115: {  	v1 =	vadd.f32 v37, v1;
	v18 =	vmul.f32 v28, v18;
	v55 =	vcvt.s32.f32 v24  }
0x116: {  	v32 =	vadd.f32 v32, v4;
	v37 =	vmul.f32 v63, v61;
	v24 =	vmul.f32 v6, v20  }
0x117: {  	v1 =	vadd.f32 v35, v1;
	v19 =	vmul.f32 v29, v19;
	v36 =	vmul.f32 v55, v48;
	v48 =	vld [tilespmem:$0x1FFA0]  }
0x118: {  	v9 =	vadd.f32 v17, v9;
	v21 =	vmul.f32 v25, v21;
	v55 =	vld [tilespmem:$0x1FFC0];
	v35 =	vmul.f32 v37, v24  }
0x119: {  	v1 =	vadd.f32 v34, v1;
	v2 =	vmul.f32 v27, v2;
	v22 =	vmul.f32 v53, v22;
	v53 =	vld [tilespmem:$0x1FF90]  }
0x11a: {  	v32 =	vadd.f32 v32, v33;
	v33 =	vmul.f32 v60, v16;
	v16 =	vld [tilespmem:$0x1FFF0];
	v60 =	vand.u32 $0x7FFFFF, v35  }
0x11b: {  	v27 =	vmul.f32 v23, v14;
	v30 =	vmul.f32 v62, v30;
	v62 =	vld [tilespmem:$0x1FFE0];
	v28 =	vor.u32 $0x3F800000, v60  }
0x11c: {  	v29 =	vmul.f32 v47, v12;
	v49 =	vmul.f32 v49, v13;
	v60 =	vadd.f32 $1.414213540e+00, v28  }
0x11d: {  	v34 =	vadd.f32 v31, v7;
	v44 =	vmul.f32 v44, v48;
	v11 =	vmul.f32 v11, v55  }
0x11e: {  	v55 =	vadd.f32 v36, v5;
	v48 =	vmul.f32 v39, v5;
	(erf) = vrcp.f32 v60  }
0x11f: {  	v31 =	vld [tilespmem:$0x1FE00];
	v1 =	vadd.f32 v53, v1;
	v36 =	vmul.f32 v26, v10;
	v8 =	vmul.f32 v8, v16  }
0x120: {  	v16 =	vld [tilespmem:$0x1FFB0];
	v5 =	vadd.f32 v49, v48;
	v3 =	vmul.f32 v3, v62;
	v62 =	vadd.f32 v55, v32  }
0x121: {  	v32 =	vmul.f32 v15, v4;
	v2 =	vadd.f32 v8, v2;
	v8 =	vadd.f32 v29, v27  }
0x122: {  	v5 =	vadd.f32 v5, v21;
	v15 =	vadd.f32 v34, v62  }
0x123: {  	v49 =	vld [tilespmem:$0x1FE80];
	v55 =	vmul.f32 v50, v7;
	v62 =	vadd.f32 v44, v53;
	v4 =	vadd.f32 v36, v32  }
0x124: {  	v32 =	vmul.f32 v43, v31;
	v34 =	vld [tilespmem:$0x1FFD0];
	v2 =	vadd.f32 v2, v18;
	v5 =	vmul.f32 v5, v42  }
0x125: {  	v1 =	vadd.f32 v16, v1;
	v11 =	vadd.f32 v11, v16;
	v60 =	vmul.f32 v46, v0  }
0x126: {  	v4 =	vadd.f32 v4, v19;
	v39 =	vmul.f32 v62, v54;
	v36 =	vadd.f32 $-1.414213540e+00, v28  }
0x127: {  	v8 =	vadd.f32 v8, v32;
	v2 =	vmul.f32 v52, v2;
	v7 =	vadd.f32 v60, v55;
	v43 =	vpop (erf)  }
0x128: {  	v50 =	vadd.f32 v30, v49;
	v11 =	vmul.f32 v56, v11;
	v12 =	vmul.f32 v43, v36  }
0x129: {  	v4 =	vmul.f32 v41, v4;
	v3 =	vadd.f32 v3, v34;
	v7 =	vadd.f32 v7, v22  }
0x12a: {  	v9 =	vadd.f32 v9, v15;
	v8 =	vmul.f32 v8, v40;
	v44 =	vmul.f32 v12, v12  }
0x12b: {  	v1 =	vadd.f32 v34, v1;
	v46 =	vld [tilespmem:$0x1FE10];
	v3 =	vmul.f32 v3, v51;
	v7 =	vmul.f32 v57, v7  }
0x12c: {  	v4 =	vadd.f32 v5, v4;
	v2 =	vadd.f32 v8, v2;
	v48 =	vmul.f32 $2.000000030e-01, v44  }
0x12d: {  	v51 =	vshra.s32 v35, $0x17;
	v3 =	vadd.f32 v3, v11;
	v7 =	vadd.f32 v39, v7  }
0x12e: {  	v4 =	vmul.f32 v4, v45;
	v2 =	vmul.f32 v38, v2;
	v8 =	vadd.f32 $3.333333430e-01, v48  }
0x12f: {  	v56 =	vadd.s32 $0xFFFFFF81, v51;
	v3 =	vmul.f32 v3, v59;
	v57 =	vld [tilespmem:$0x1FE20];
	v7 =	vmul.f32 v58, v7  }
0x130: {  	v11 =	vmul.f32 v50, v61;
	v47 =	vadd.f32 v33, v46;
	v8 =	vmul.f32 v8, v44  }
0x131: {  	v2 =	vadd.f32 v4, v2;
	v59 =	vld [tilespmem:$0x1FE30];
	(erf) = vrcp.f32 v35;
	v3 =	vadd.f32 v3, v7  }
0x132: {  	v5 =	vmul.f32 v63, v47;
	v53 =	vadd.f32 v12, v12;
	v52 =	vadd.f32 $1.000000000e+00, v8  }
0x133: {  	v61 =	vld [tilespmem:$0x1FE40];
	v1 =	vadd.f32 v46, v1;
	v54 =	vmul.f32 v6, v2;
	v55 =	vmul.f32 v3, v20  }
0x134: {  	v4 =	vadd.f32 v57, v9;
	v3 =	vcvt.s32.f32 v56;
	v58 =	vmul.f32 v52, v53  }
0x135: {  	v62 =	vld [tilespmem:$0x1FE50];
	v5 =	vadd.f32 v11, v5;
	v0 =	vadd.f32 v55, v54  }
0x136: {  	v2 =	vadd.f32 v59, v4;
	v3 =	vmul.f32 $6.931471820e-01, v3;
	v60 =	vadd.f32 $3.465735910e-01, v58  }
0x137: {  	v1 =	vadd.f32 v49, v1;
	v5 =	vmul.f32 v5, v24;
	v0 =	vmul.f32 v37, v0  }
0x138: {  	v2 =	vadd.f32 v61, v2;
	v3 =	vadd.f32 v60, v3  }
0x139: {  	v0 =	vadd.f32 v5, v0  }
0x13a: {  	v2 =	vadd.f32 v62, v2;
	v63 =	vpop (erf);
	v1 =	vadd.f32 v3, v1  }
0x13b: {  	v0 =	vmul.f32 v0, v63  }
0x13c: {  	v2 =	vsub.f32 v2, v1  }
0x13d: {  	s18 =	sadd.s32 $0x10, s18;
	v0 =	vsub.f32 v1, v0  }
0x13e: {  	s17 =	sadd.s32 $0x10, s17;
	[tilespmem:s18+$0x0] =	vst v2  }
0x13f: {  	[tilespmem:s17+$0x0] =	vst v0  }
0x140: {  	[hbm4b:s5+s2] =	stream.linear.scatter [tilespmem:s13], [sflag:$0x3], $0x200, $0x38;
	[tilespmem:$0x6400] =	vst v63  }
0x141: {  	s16 =	sadd.s32 $0x1, s16;
	_ =	swait.ge [sflag:s14], $0x200  }
0x142: {  	p0 =	sne.s32 s16, s7;
	[sflag:s14] =	ssyncset.done $0x0  }
.Ltmp1:
0x143: {  	[sflag:s14] =	ssyncadd.s32 $0xFFFFFE00;
	(pc) =	sbr.rel @p0 .LBB2_1-.Ltmp1, $4  }
0x144: {  	[hbm4b:s6+s2] =	stream.linear.scatter [tilespmem:s15], [sflag:$0x3], $0x200, $0x38;
	[tilespmem:$0x6400] =	vst v63  }
0x145: {  	_ =	swait.ge [sflag:s14], $0x200  }
0x146: {  	[sflag:s14] =	ssyncset.done $0x0  }
0x147: {  	[sflag:s14] =	ssyncadd.s32 $0xFFFFFE00  }
0x148: {  	_ =	sfence.sel $0x180000  }
0x149: {  	[bflag:$0x0] =	sbarrier.arrive $0xFFFF  }
0x14a: {  	p0 =	sne.s32 s0, $0x0;
	_ =	strace $0x90000047  }
0x14b: {  	s0 =	sadd.s32 @!p0 $0x100000, s1;
	[bflag:$0x2] =	sbarrier.arrive $0xFFFF  }
0x14c: {  	[sflag:s0] =	ssyncadd.tile.s32 @!p0 $0x1;
	_ =	shalt  }
.Lfunc_end2:
_tile_overlayer_lowered:
.L_overlay_start_2:
0x14d: {  	(tag) =	ssettag $0x2  }
0x14e: {  	s0 =	rddreg [dreg:$0x0];
	s2 =	stileid.u32  }
0x14f: {  	s1 =	rddreg [dreg:$0x1];
	p0 =	sne.s32 s2, $0x0  }
0x150: {  	s3 =	rddreg [dreg:$0x2];
	[bflag:$0x3] =	sbarrier.arrive $0xFFFF;
	s2 =	simm.s32 @!p0 $0x1C03  }
0x151: {  	[timem:s3], [sflag:s2] =	dma.local @!p0 [hbm:s0], s1  }
0x152: {  	s0 =	simm.s32 @!p0 $0x3  }
0x153: {  	_ =	swait.ge @!p0 [sflag:s0], s1  }
0x154: {  	s1 =	ssub.s32 @!p0 $0x0, s1;
	[sflag:s0] =	ssyncset.done @!p0 $0x0  }
0x155: {  	[sflag:s0] =	ssyncadd.s32 @!p0 s1  }
0x156: {  	[bflag:$0x3] =	sbarrier.arrive $0xFFFF  }
0x157: {  	_ =	shalt  }

</sc_bundles>
